<compile_context>
chip_gen: v7x
topology: tpu7x:2x2x1
jax: 0.10.2.dev20260603
libtpu: 0.0.44.dev20260713+nightly
codegen_flags: <defaults>
</compile_context>

<pallas_src>
import functools

import jax
import jax.numpy as jnp
from jax import lax
from jax.experimental import pallas as pl
from jax.experimental.pallas import tpu as pltpu
from jax.experimental.pallas import tpu_sc as plsc

NUM_NODES = 1000000
OUT_DIMS = 32
BATCH = 16384
HIST = 200

LANES = 128
NBT = BATCH // LANES
NM = HIST * NBT
NC = 2
NS = 16
NW = NC * NS
BT_PER_W = NBT // NW
STEPS = BT_PER_W * HIST
HBLK = 40
PIPE = 4


@functools.partial(
    pl.kernel,
    mesh=plsc.VectorSubcoreMesh(core_axis_name="c", subcore_axis_name="s"),
    compiler_params=pltpu.CompilerParams(
        use_tc_tiling_on_sc=False, needs_layout_passes=False
    ),
    out_type=jax.ShapeDtypeStruct((NM, LANES, OUT_DIMS), jnp.float32),
    scratch_types=[
        pltpu.VMEM((2, HBLK, LANES), jnp.int32),
        pltpu.VMEM((PIPE, LANES, OUT_DIMS), jnp.float32),
        pltpu.SemaphoreType.DMA,
        pltpu.SemaphoreType.DMA,
    ],
)
def _sc_gather(idx_hbm, table_hbm, out_hbm, idx_v, rows_v, gsem, wsem):
    wid = lax.axis_index("s") * NC + lax.axis_index("c")
    col0 = wid * BT_PER_W * LANES

    def stage_idx(g):
        h = g % HIST
        bt = g // HIST
        pltpu.sync_copy(
            idx_hbm.at[pl.ds(h, HBLK), pl.ds(col0 + bt * LANES, LANES)],
            idx_v.at[(g // HBLK) % 2],
        )

    def gather(g, wait):
        cp = (
            pltpu.make_async_copy
            if wait
            else lambda s, d, m: pltpu.async_copy(s, d, m)
        )
        c = cp(
            table_hbm.at[idx_v.at[(g // HBLK) % 2, g % HBLK]],
            rows_v.at[g % PIPE],
            gsem,
        )
        if wait:
            c.wait()

    def write(g, wait):
        m = (g % HIST) * NBT + wid * BT_PER_W + g // HIST
        src = rows_v.at[g % PIPE]
        dst = out_hbm.at[m]
        if wait:
            pltpu.make_async_copy(src, dst, wsem).wait()
        else:
            pltpu.async_copy(src, dst, wsem)

    stage_idx(0)
    for gi in range(PIPE - 1):
        gather(gi, False)

    def body(g, carry):
        g3 = g + PIPE - 1

        @pl.when(jnp.logical_and(g3 < STEPS, g3 % HBLK == 0))
        def _stage():
            stage_idx(g3)

        @pl.when(g3 < STEPS)
        def _fire():
            @pl.when(g3 >= PIPE)
            def _reclaim():
                write(g3 - PIPE, True)

            gather(g3, False)

        gather(g, True)
        write(g, False)
        return carry

    lax.fori_loop(0, STEPS, body, 0)
    for gi in range(STEPS - PIPE, STEPS):
        write(gi, True)


def _tc_body(x_ref, o_ref):
    x = x_ref[...]
    lane = lax.broadcasted_iota(jnp.int32, (32, LANES), 1)
    row = lax.broadcasted_iota(jnp.int32, (32, LANES), 0)
    ys = []
    for i in range(8):
        xi = x[i * 32:(i + 1) * 32]
        acc = None
        for bi in range(4):
            z = jnp.transpose(xi[:, bi * 32:(bi + 1) * 32])
            e = (lane == 4 * row + bi).astype(jnp.float32)
            t = jnp.dot(z, e, preferred_element_type=jnp.float32)
            acc = t if acc is None else acc + t
        ys.append(acc)
    y = jnp.stack(ys, axis=0)
    o_ref[...] = (
        y.reshape(8, 4, 8, LANES).transpose(1, 0, 2, 3).reshape(1, 4, 8, 8, LANES)
    )


_tc_transpose = pl.pallas_call(
    _tc_body,
    grid=(HIST, NBT // 8),
    in_specs=[pl.BlockSpec((256, LANES), lambda h, bq: (h * 16 + bq, 0))],
    out_specs=pl.BlockSpec((1, 4, 8, 8, LANES), lambda h, bq: (h, 0, bq, 0, 0)),
    out_shape=jax.ShapeDtypeStruct((HIST, 4, NBT, 8, LANES), jnp.float32),
)


def kernel(idx, table):
    interm = _sc_gather(idx.T.astype(jnp.int32), table)
    out = (
        interm.reshape(HIST, NBT, LANES, OUT_DIMS)
        .transpose(1, 2, 0, 3)
        .reshape(BATCH, HIST, OUT_DIMS)
    )
    return out

# --- scband reference (transcript-rebuilt; emitter-appended) ---
"""Pipeline reference for scband-static-embedding-66159676228020 (READ-ONLY COPY).

The authoritative reference and input builder live on the scoring server;
editing this copy changes nothing except your own understanding.
"""

import jax, jax.numpy as jnp
import numpy as np

NUM_NODES = 1000000
OUT_DIMS = 32
BATCH = 16384
HIST = 200

def setup_inputs(seed: int = 0) -> dict:
    key = jax.random.key(seed)
    k_idx, k_tab = jax.random.split(key)
    idx = jax.random.randint(k_idx, (BATCH, HIST), 0, NUM_NODES, dtype=jnp.int64 if jax.config.read('jax_enable_x64') else jnp.int32)
    table = jax.random.normal(k_tab, (NUM_NODES, OUT_DIMS), dtype=jnp.float32)
    return {"idx": idx, "table": table}

def reference(idx, table):
    # typ == 'LR': nn.Embedding lookup -> gather rows of the table
    return jnp.take(table, idx, axis=0)

if __name__ == "__main__":
    import jax
    _d = setup_inputs()
    print(jax.jit(kernel)(*tuple(_d.values())))

</pallas_src>

<mosaic_0001>
#map = affine_map<(d0, d1) -> (0, 0)>
#map1 = affine_map<(d0, d1) -> (0, 0, 0)>
module attributes {stable_mosaic.version = 14 : i64} {
  func.func @_sc_gather(%arg0: i32, %arg1: i32, %arg2: memref<200x16384xi32, #tpu.memory_space<hbm>>, %arg3: memref<1000000x32xf32, #tpu.memory_space<hbm>>, %arg4: memref<25600x128x32xf32, #tpu.memory_space<hbm>>, %arg5: memref<2x40x128xi32, #tpu.memory_space<vmem>>, %arg6: memref<4x128x32xf32, #tpu.memory_space<vmem>>, %arg7: memref<!tpu.dma_semaphore, #tpu.memory_space<semaphore_mem>>, %arg8: memref<!tpu.dma_semaphore, #tpu.memory_space<semaphore_mem>>) attributes {dimension_semantics = [#tpu.dimension_semantics<core_parallel>, #tpu.dimension_semantics<subcore_parallel>], iteration_bounds = array<i64: 2, 16>, scalar_prefetch = 0 : i64, scratch_operands = 4 : i64, tpu.core_type = #tpu.core_type<sc_vector_subcore>, window_params = [{transform_indices = #map}, {transform_indices = #map}, {transform_indices = #map1}]} {
    %mul3A = arith.constant 2 : i32
    %mul3A_0 = arith.muli %arg1, %mul3A : i32
    %add3A = arith.addi %mul3A_0, %arg0 : i32
    %mul3A_1 = arith.constant 4 : i32
    %mul3A_2 = arith.muli %add3A, %mul3A_1 : i32
    %mul3A_3 = arith.constant 128 : i32
    %mul3A_4 = arith.muli %mul3A_2, %mul3A_3 : i32
    %add3A_5 = arith.constant 0 : i32
    %add3A_6 = arith.addi %mul3A_4, %add3A_5 : i32
    %run_scoped3A = arith.constant 0 : i32
    "tpu.region"() ({
      %run_scoped3A_141 = tpu.sem_alloc : memref<!tpu.dma_semaphore, #tpu.memory_space<semaphore_mem>>
      %dma_start3A_142 = arith.constant 0 : i32
      %dma_start3A_143 = arith.constant 0 : i32
      %dma_start3A_144 = tpu.memref_slice %arg5[%run_scoped3A, %dma_start3A_142, %dma_start3A_143] : memref<2x40x128xi32, #tpu.memory_space<vmem>> -> memref<1x40x128xi32, #tpu.memory_space<vmem>>
      %dma_start3A_145 = tpu.memref_squeeze %dma_start3A_144 : memref<1x40x128xi32, #tpu.memory_space<vmem>> -> memref<40x128xi32, #tpu.memory_space<vmem>>
      %dma_start3A_146 = arith.constant 0 : i32
      %dma_start3A_147 = tpu.memref_slice %arg2[%dma_start3A_146, %add3A_6] : memref<200x16384xi32, #tpu.memory_space<hbm>> -> memref<40x128xi32, #tpu.memory_space<hbm>>
      %dma_start3A_148 = arith.constant 0 : i32
      %dma_start3A_149 = arith.constant 0 : i32
      %dma_start3A_150 = tpu.memref_slice %arg5[%run_scoped3A, %dma_start3A_148, %dma_start3A_149] : memref<2x40x128xi32, #tpu.memory_space<vmem>> -> memref<1x40x128xi32, #tpu.memory_space<vmem>>
      %dma_start3A_151 = tpu.memref_squeeze %dma_start3A_150 : memref<1x40x128xi32, #tpu.memory_space<vmem>> -> memref<40x128xi32, #tpu.memory_space<vmem>>
      %dma_start3A_152 = arith.constant 0 : i32
      %dma_start3A_153 = tpu.memref_slice %arg2[%dma_start3A_152, %add3A_6] : memref<200x16384xi32, #tpu.memory_space<hbm>> -> memref<40x128xi32, #tpu.memory_space<hbm>>
      tpu.enqueue_dma source(%dma_start3A_153 : memref<40x128xi32, #tpu.memory_space<hbm>>) target(%dma_start3A_151 : memref<40x128xi32, #tpu.memory_space<vmem>>) target_semaphore(%run_scoped3A_141 : memref<!tpu.dma_semaphore, #tpu.memory_space<semaphore_mem>>)
      %dma_wait3A_154 = arith.constant 0 : i32
      %dma_wait3A_155 = arith.constant 0 : i32
      %dma_wait3A_156 = tpu.memref_slice %arg5[%run_scoped3A, %dma_wait3A_154, %dma_wait3A_155] : memref<2x40x128xi32, #tpu.memory_space<vmem>> -> memref<1x40x128xi32, #tpu.memory_space<vmem>>
      %dma_wait3A_157 = tpu.memref_squeeze %dma_wait3A_156 : memref<1x40x128xi32, #tpu.memory_space<vmem>> -> memref<40x128xi32, #tpu.memory_space<vmem>>
      %dma_wait3A_158 = arith.constant 0 : i32
      %dma_wait3A_159 = tpu.memref_slice %arg2[%dma_wait3A_158, %add3A_6] : memref<200x16384xi32, #tpu.memory_space<hbm>> -> memref<40x128xi32, #tpu.memory_space<hbm>>
      %dma_wait3A_160 = arith.constant 0 : i32
      %dma_wait3A_161 = arith.constant 0 : i32
      %dma_wait3A_162 = tpu.memref_slice %arg5[%run_scoped3A, %dma_wait3A_160, %dma_wait3A_161] : memref<2x40x128xi32, #tpu.memory_space<vmem>> -> memref<1x40x128xi32, #tpu.memory_space<vmem>>
      %dma_wait3A_163 = tpu.memref_squeeze %dma_wait3A_162 : memref<1x40x128xi32, #tpu.memory_space<vmem>> -> memref<40x128xi32, #tpu.memory_space<vmem>>
      %dma_wait3A_164 = arith.constant 0 : i32
      %dma_wait3A_165 = tpu.memref_slice %arg2[%dma_wait3A_164, %add3A_6] : memref<200x16384xi32, #tpu.memory_space<hbm>> -> memref<40x128xi32, #tpu.memory_space<hbm>>
      tpu.wait_dma2 semaphore(%run_scoped3A_141 : memref<!tpu.dma_semaphore, #tpu.memory_space<semaphore_mem>>) src(%dma_wait3A_165 : memref<40x128xi32, #tpu.memory_space<hbm>>) dst(%dma_wait3A_163 : memref<40x128xi32, #tpu.memory_space<vmem>>)
      tpu.yield
    }) : () -> ()
    %dma_start3A = arith.constant 0 : i32
    %dma_start3A_7 = arith.constant 0 : i32
    %dma_start3A_8 = arith.constant 0 : i32
    %dma_start3A_9 = arith.constant 0 : i32
    %dma_start3A_10 = arith.constant 0 : i32
    %dma_start3A_11 = tpu.memref_slice %arg6[%dma_start3A_8, %dma_start3A_9, %dma_start3A_10] : memref<4x128x32xf32, #tpu.memory_space<vmem>> -> memref<1x128x32xf32, #tpu.memory_space<vmem>>
    %dma_start3A_12 = tpu.memref_squeeze %dma_start3A_11 : memref<1x128x32xf32, #tpu.memory_space<vmem>> -> memref<128x32xf32, #tpu.memory_space<vmem>>
    %dma_start3A_13 = arith.constant 0 : i32
    %dma_start3A_14 = tpu.memref_slice %arg5[%dma_start3A, %dma_start3A_7, %dma_start3A_13] : memref<2x40x128xi32, #tpu.memory_space<vmem>> -> memref<1x1x128xi32, #tpu.memory_space<vmem>>
    %dma_start3A_15 = tpu.memref_squeeze %dma_start3A_14 : memref<1x1x128xi32, #tpu.memory_space<vmem>> -> memref<128xi32, #tpu.memory_space<vmem>>
    %dma_start3A_16 = arith.constant 0 : i32
    %dma_start3A_17 = arith.constant 0 : i32
    %dma_start3A_18 = tpu.memref_slice %arg3[%dma_start3A_16, %dma_start3A_17] : memref<1000000x32xf32, #tpu.memory_space<hbm>> -> memref<1000000x32xf32, #tpu.memory_space<hbm>>
    tpu.enqueue_indirect_dma source(%dma_start3A_18 : memref<1000000x32xf32, #tpu.memory_space<hbm>>) target(%dma_start3A_12 : memref<128x32xf32, #tpu.memory_space<vmem>>) offsets(%dma_start3A_15 : memref<128xi32, #tpu.memory_space<vmem>>) semaphore(%arg7 : memref<!tpu.dma_semaphore, #tpu.memory_space<semaphore_mem>>)
    %dma_start3A_19 = arith.constant 0 : i32
    %dma_start3A_20 = arith.constant 1 : i32
    %dma_start3A_21 = arith.constant 1 : i32
    %dma_start3A_22 = arith.constant 0 : i32
    %dma_start3A_23 = arith.constant 0 : i32
    %dma_start3A_24 = tpu.memref_slice %arg6[%dma_start3A_21, %dma_start3A_22, %dma_start3A_23] : memref<4x128x32xf32, #tpu.memory_space<vmem>> -> memref<1x128x32xf32, #tpu.memory_space<vmem>>
    %dma_start3A_25 = tpu.memref_squeeze %dma_start3A_24 : memref<1x128x32xf32, #tpu.memory_space<vmem>> -> memref<128x32xf32, #tpu.memory_space<vmem>>
    %dma_start3A_26 = arith.constant 0 : i32
    %dma_start3A_27 = tpu.memref_slice %arg5[%dma_start3A_19, %dma_start3A_20, %dma_start3A_26] : memref<2x40x128xi32, #tpu.memory_space<vmem>> -> memref<1x1x128xi32, #tpu.memory_space<vmem>>
    %dma_start3A_28 = tpu.memref_squeeze %dma_start3A_27 : memref<1x1x128xi32, #tpu.memory_space<vmem>> -> memref<128xi32, #tpu.memory_space<vmem>>
    %dma_start3A_29 = arith.constant 0 : i32
    %dma_start3A_30 = arith.constant 0 : i32
    %dma_start3A_31 = tpu.memref_slice %arg3[%dma_start3A_29, %dma_start3A_30] : memref<1000000x32xf32, #tpu.memory_space<hbm>> -> memref<1000000x32xf32, #tpu.memory_space<hbm>>
    tpu.enqueue_indirect_dma source(%dma_start3A_31 : memref<1000000x32xf32, #tpu.memory_space<hbm>>) target(%dma_start3A_25 : memref<128x32xf32, #tpu.memory_space<vmem>>) offsets(%dma_start3A_28 : memref<128xi32, #tpu.memory_space<vmem>>) semaphore(%arg7 : memref<!tpu.dma_semaphore, #tpu.memory_space<semaphore_mem>>)
    %dma_start3A_32 = arith.constant 0 : i32
    %dma_start3A_33 = arith.constant 2 : i32
    %dma_start3A_34 = arith.constant 2 : i32
    %dma_start3A_35 = arith.constant 0 : i32
    %dma_start3A_36 = arith.constant 0 : i32
    %dma_start3A_37 = tpu.memref_slice %arg6[%dma_start3A_34, %dma_start3A_35, %dma_start3A_36] : memref<4x128x32xf32, #tpu.memory_space<vmem>> -> memref<1x128x32xf32, #tpu.memory_space<vmem>>
    %dma_start3A_38 = tpu.memref_squeeze %dma_start3A_37 : memref<1x128x32xf32, #tpu.memory_space<vmem>> -> memref<128x32xf32, #tpu.memory_space<vmem>>
    %dma_start3A_39 = arith.constant 0 : i32
    %dma_start3A_40 = tpu.memref_slice %arg5[%dma_start3A_32, %dma_start3A_33, %dma_start3A_39] : memref<2x40x128xi32, #tpu.memory_space<vmem>> -> memref<1x1x128xi32, #tpu.memory_space<vmem>>
    %dma_start3A_41 = tpu.memref_squeeze %dma_start3A_40 : memref<1x1x128xi32, #tpu.memory_space<vmem>> -> memref<128xi32, #tpu.memory_space<vmem>>
    %dma_start3A_42 = arith.constant 0 : i32
    %dma_start3A_43 = arith.constant 0 : i32
    %dma_start3A_44 = tpu.memref_slice %arg3[%dma_start3A_42, %dma_start3A_43] : memref<1000000x32xf32, #tpu.memory_space<hbm>> -> memref<1000000x32xf32, #tpu.memory_space<hbm>>
    tpu.enqueue_indirect_dma source(%dma_start3A_44 : memref<1000000x32xf32, #tpu.memory_space<hbm>>) target(%dma_start3A_38 : memref<128x32xf32, #tpu.memory_space<vmem>>) offsets(%dma_start3A_41 : memref<128xi32, #tpu.memory_space<vmem>>) semaphore(%arg7 : memref<!tpu.dma_semaphore, #tpu.memory_space<semaphore_mem>>)
    %scan3A = arith.constant 0 : i32
    %scan3A_45 = arith.constant 0 : i32
    %scan3A_46 = arith.constant 800 : i32
    %scan3A_47 = arith.addi %scan3A_45, %scan3A_46 : i32
    %scan3A_48 = arith.constant 1 : i32
    scf.for %scan3A_141 = %scan3A_45 to %scan3A_47 step %scan3A_48  : i32 {
      %add3A_142 = arith.constant 4 : i32
      %add3A_143 = arith.addi %scan3A_141, %add3A_142 : i32
      %sub3A = arith.constant 1 : i32
      %sub3A_144 = arith.subi %add3A_143, %sub3A : i32
      %lt3A = arith.constant 800 : i32
      %lt3A_145 = arith.cmpi slt, %sub3A_144, %lt3A : i32
      %jit3A = arith.constant 40 : i32
      %eq3A = arith.constant 0 : i32
      %eq3A_146 = arith.cmpi eq, %jit3A, %eq3A : i32
      %jit3A_147 = arith.constant 1 : i32
      %select_n3A = arith.select %eq3A_146, %jit3A_147, %jit3A : i32
      %rem3A = arith.remsi %sub3A_144, %select_n3A : i32
      %ne3A = arith.constant 0 : i32
      %ne3A_148 = arith.cmpi ne, %rem3A, %ne3A : i32
      %lt3A_149 = arith.constant 0 : i32
      %lt3A_150 = arith.cmpi slt, %rem3A, %lt3A_149 : i32
      %lt3A_151 = arith.constant 0 : i32
      %lt3A_152 = arith.cmpi slt, %select_n3A, %lt3A_151 : i32
      %ne3A_153 = arith.xori %lt3A_150, %lt3A_152 : i1
      %and3A = arith.andi %ne3A_153, %ne3A_148 : i1
      %add3A_154 = arith.addi %rem3A, %select_n3A : i32
      %select_n3A_155 = arith.select %and3A, %add3A_154, %rem3A : i32
      %eq3A_156 = arith.constant 0 : i32
      %eq3A_157 = arith.cmpi eq, %select_n3A_155, %eq3A_156 : i32
      %and3A_158 = arith.andi %lt3A_145, %eq3A_157 : i1
      %convert_element_type3A = arith.extui %and3A_158 : i1 to i32
      %cond3A = arith.constant 0 : i32
      %cond3A_159 = arith.cmpi ne, %convert_element_type3A, %cond3A : i32
      scf.if %cond3A_159 {
        %jit3A_323 = arith.constant 200 : i32
        %eq3A_324 = arith.constant 0 : i32
        %eq3A_325 = arith.cmpi eq, %jit3A_323, %eq3A_324 : i32
        %jit3A_326 = arith.constant 1 : i32
        %select_n3A_327 = arith.select %eq3A_325, %jit3A_326, %jit3A_323 : i32
        %rem3A_328 = arith.remsi %sub3A_144, %select_n3A_327 : i32
        %ne3A_329 = arith.constant 0 : i32
        %ne3A_330 = arith.cmpi ne, %rem3A_328, %ne3A_329 : i32
        %lt3A_331 = arith.constant 0 : i32
        %lt3A_332 = arith.cmpi slt, %rem3A_328, %lt3A_331 : i32
        %lt3A_333 = arith.constant 0 : i32
        %lt3A_334 = arith.cmpi slt, %select_n3A_327, %lt3A_333 : i32
        %ne3A_335 = arith.xori %lt3A_332, %lt3A_334 : i1
        %and3A_336 = arith.andi %ne3A_335, %ne3A_330 : i1
        %add3A_337 = arith.addi %rem3A_328, %select_n3A_327 : i32
        %select_n3A_338 = arith.select %and3A_336, %add3A_337, %rem3A_328 : i32
        %jit3A_339 = arith.constant 200 : i32
        %div3A_340 = arith.divsi %sub3A_144, %jit3A_339 : i32
        %sign3A_341 = arith.constant 0 : i32
        %sign3A_342 = arith.cmpi sgt, %sub3A_144, %sign3A_341 : i32
        %sign3A_343 = arith.extui %sign3A_342 : i1 to i32
        %sign3A_344 = arith.constant 0 : i32
        %sign3A_345 = arith.cmpi slt, %sub3A_144, %sign3A_344 : i32
        %sign3A_346 = arith.extui %sign3A_345 : i1 to i32
        %sign3A_347 = arith.subi %sign3A_343, %sign3A_346 : i32
        %sign3A_348 = arith.constant 0 : i32
        %sign3A_349 = arith.cmpi sgt, %jit3A_339, %sign3A_348 : i32
        %sign3A_350 = arith.extui %sign3A_349 : i1 to i32
        %sign3A_351 = arith.constant 0 : i32
        %sign3A_352 = arith.cmpi slt, %jit3A_339, %sign3A_351 : i32
        %sign3A_353 = arith.extui %sign3A_352 : i1 to i32
        %sign3A_354 = arith.subi %sign3A_350, %sign3A_353 : i32
        %ne3A_355 = arith.cmpi ne, %sign3A_347, %sign3A_354 : i32
        %rem3A_356 = arith.remsi %sub3A_144, %jit3A_339 : i32
        %ne3A_357 = arith.constant 0 : i32
        %ne3A_358 = arith.cmpi ne, %rem3A_356, %ne3A_357 : i32
        %and3A_359 = arith.andi %ne3A_355, %ne3A_358 : i1
        %sub3A_360 = arith.constant 1 : i32
        %sub3A_361 = arith.subi %div3A_340, %sub3A_360 : i32
        %select_n3A_362 = arith.select %and3A_359, %sub3A_361, %div3A_340 : i32
        %mul3A_363 = arith.constant 128 : i32
        %mul3A_364 = arith.muli %select_n3A_362, %mul3A_363 : i32
        %add3A_365 = arith.addi %mul3A_4, %mul3A_364 : i32
        %jit3A_366 = arith.constant 40 : i32
        %div3A_367 = arith.divsi %sub3A_144, %jit3A_366 : i32
        %sign3A_368 = arith.constant 0 : i32
        %sign3A_369 = arith.cmpi sgt, %sub3A_144, %sign3A_368 : i32
        %sign3A_370 = arith.extui %sign3A_369 : i1 to i32
        %sign3A_371 = arith.constant 0 : i32
        %sign3A_372 = arith.cmpi slt, %sub3A_144, %sign3A_371 : i32
        %sign3A_373 = arith.extui %sign3A_372 : i1 to i32
        %sign3A_374 = arith.subi %sign3A_370, %sign3A_373 : i32
        %sign3A_375 = arith.constant 0 : i32
        %sign3A_376 = arith.cmpi sgt, %jit3A_366, %sign3A_375 : i32
        %sign3A_377 = arith.extui %sign3A_376 : i1 to i32
        %sign3A_378 = arith.constant 0 : i32
        %sign3A_379 = arith.cmpi slt, %jit3A_366, %sign3A_378 : i32
        %sign3A_380 = arith.extui %sign3A_379 : i1 to i32
        %sign3A_381 = arith.subi %sign3A_377, %sign3A_380 : i32
        %ne3A_382 = arith.cmpi ne, %sign3A_374, %sign3A_381 : i32
        %rem3A_383 = arith.remsi %sub3A_144, %jit3A_366 : i32
        %ne3A_384 = arith.constant 0 : i32
        %ne3A_385 = arith.cmpi ne, %rem3A_383, %ne3A_384 : i32
        %and3A_386 = arith.andi %ne3A_382, %ne3A_385 : i1
        %sub3A_387 = arith.constant 1 : i32
        %sub3A_388 = arith.subi %div3A_367, %sub3A_387 : i32
        %select_n3A_389 = arith.select %and3A_386, %sub3A_388, %div3A_367 : i32
        %jit3A_390 = arith.constant 2 : i32
        %eq3A_391 = arith.constant 0 : i32
        %eq3A_392 = arith.cmpi eq, %jit3A_390, %eq3A_391 : i32
        %jit3A_393 = arith.constant 1 : i32
        %select_n3A_394 = arith.select %eq3A_392, %jit3A_393, %jit3A_390 : i32
        %rem3A_395 = arith.remsi %select_n3A_389, %select_n3A_394 : i32
        %ne3A_396 = arith.constant 0 : i32
        %ne3A_397 = arith.cmpi ne, %rem3A_395, %ne3A_396 : i32
        %lt3A_398 = arith.constant 0 : i32
        %lt3A_399 = arith.cmpi slt, %rem3A_395, %lt3A_398 : i32
        %lt3A_400 = arith.constant 0 : i32
        %lt3A_401 = arith.cmpi slt, %select_n3A_394, %lt3A_400 : i32
        %ne3A_402 = arith.xori %lt3A_399, %lt3A_401 : i1
        %and3A_403 = arith.andi %ne3A_402, %ne3A_397 : i1
        %add3A_404 = arith.addi %rem3A_395, %select_n3A_394 : i32
        %select_n3A_405 = arith.select %and3A_403, %add3A_404, %rem3A_395 : i32
        "tpu.region"() ({
          %run_scoped3A_406 = tpu.sem_alloc : memref<!tpu.dma_semaphore, #tpu.memory_space<semaphore_mem>>
          %dma_start3A_407 = arith.constant 0 : i32
          %dma_start3A_408 = arith.constant 0 : i32
          %dma_start3A_409 = tpu.memref_slice %arg5[%select_n3A_405, %dma_start3A_407, %dma_start3A_408] : memref<2x40x128xi32, #tpu.memory_space<vmem>> -> memref<1x40x128xi32, #tpu.memory_space<vmem>>
          %dma_start3A_410 = tpu.memref_squeeze %dma_start3A_409 : memref<1x40x128xi32, #tpu.memory_space<vmem>> -> memref<40x128xi32, #tpu.memory_space<vmem>>
          %dma_start3A_411 = tpu.memref_slice %arg2[%select_n3A_338, %add3A_365] : memref<200x16384xi32, #tpu.memory_space<hbm>> -> memref<40x128xi32, #tpu.memory_space<hbm>>
          %dma_start3A_412 = arith.constant 0 : i32
          %dma_start3A_413 = arith.constant 0 : i32
          %dma_start3A_414 = tpu.memref_slice %arg5[%select_n3A_405, %dma_start3A_412, %dma_start3A_413] : memref<2x40x128xi32, #tpu.memory_space<vmem>> -> memref<1x40x128xi32, #tpu.memory_space<vmem>>
          %dma_start3A_415 = tpu.memref_squeeze %dma_start3A_414 : memref<1x40x128xi32, #tpu.memory_space<vmem>> -> memref<40x128xi32, #tpu.memory_space<vmem>>
          %dma_start3A_416 = tpu.memref_slice %arg2[%select_n3A_338, %add3A_365] : memref<200x16384xi32, #tpu.memory_space<hbm>> -> memref<40x128xi32, #tpu.memory_space<hbm>>
          tpu.enqueue_dma source(%dma_start3A_416 : memref<40x128xi32, #tpu.memory_space<hbm>>) target(%dma_start3A_415 : memref<40x128xi32, #tpu.memory_space<vmem>>) target_semaphore(%run_scoped3A_406 : memref<!tpu.dma_semaphore, #tpu.memory_space<semaphore_mem>>)
          %dma_wait3A_417 = arith.constant 0 : i32
          %dma_wait3A_418 = arith.constant 0 : i32
          %dma_wait3A_419 = tpu.memref_slice %arg5[%select_n3A_405, %dma_wait3A_417, %dma_wait3A_418] : memref<2x40x128xi32, #tpu.memory_space<vmem>> -> memref<1x40x128xi32, #tpu.memory_space<vmem>>
          %dma_wait3A_420 = tpu.memref_squeeze %dma_wait3A_419 : memref<1x40x128xi32, #tpu.memory_space<vmem>> -> memref<40x128xi32, #tpu.memory_space<vmem>>
          %dma_wait3A_421 = tpu.memref_slice %arg2[%select_n3A_338, %add3A_365] : memref<200x16384xi32, #tpu.memory_space<hbm>> -> memref<40x128xi32, #tpu.memory_space<hbm>>
          %dma_wait3A_422 = arith.constant 0 : i32
          %dma_wait3A_423 = arith.constant 0 : i32
          %dma_wait3A_424 = tpu.memref_slice %arg5[%select_n3A_405, %dma_wait3A_422, %dma_wait3A_423] : memref<2x40x128xi32, #tpu.memory_space<vmem>> -> memref<1x40x128xi32, #tpu.memory_space<vmem>>
          %dma_wait3A_425 = tpu.memref_squeeze %dma_wait3A_424 : memref<1x40x128xi32, #tpu.memory_space<vmem>> -> memref<40x128xi32, #tpu.memory_space<vmem>>
          %dma_wait3A_426 = tpu.memref_slice %arg2[%select_n3A_338, %add3A_365] : memref<200x16384xi32, #tpu.memory_space<hbm>> -> memref<40x128xi32, #tpu.memory_space<hbm>>
          tpu.wait_dma2 semaphore(%run_scoped3A_406 : memref<!tpu.dma_semaphore, #tpu.memory_space<semaphore_mem>>) src(%dma_wait3A_426 : memref<40x128xi32, #tpu.memory_space<hbm>>) dst(%dma_wait3A_425 : memref<40x128xi32, #tpu.memory_space<vmem>>)
          tpu.yield
        }) : () -> ()
      } else {
      }
      %lt3A_160 = arith.constant 800 : i32
      %lt3A_161 = arith.cmpi slt, %sub3A_144, %lt3A_160 : i32
      %convert_element_type3A_162 = arith.extui %lt3A_161 : i1 to i32
      %cond3A_163 = arith.constant 0 : i32
      %cond3A_164 = arith.cmpi ne, %convert_element_type3A_162, %cond3A_163 : i32
      scf.if %cond3A_164 {
        %ge3A = arith.constant 4 : i32
        %ge3A_323 = arith.cmpi sge, %sub3A_144, %ge3A : i32
        %convert_element_type3A_324 = arith.extui %ge3A_323 : i1 to i32
        %cond3A_325 = arith.constant 0 : i32
        %cond3A_326 = arith.cmpi ne, %convert_element_type3A_324, %cond3A_325 : i32
        scf.if %cond3A_326 {
          %sub3A_409 = arith.constant 4 : i32
          %sub3A_410 = arith.subi %sub3A_144, %sub3A_409 : i32
          %jit3A_411 = arith.constant 200 : i32
          %eq3A_412 = arith.constant 0 : i32
          %eq3A_413 = arith.cmpi eq, %jit3A_411, %eq3A_412 : i32
          %jit3A_414 = arith.constant 1 : i32
          %select_n3A_415 = arith.select %eq3A_413, %jit3A_414, %jit3A_411 : i32
          %rem3A_416 = arith.remsi %sub3A_410, %select_n3A_415 : i32
          %ne3A_417 = arith.constant 0 : i32
          %ne3A_418 = arith.cmpi ne, %rem3A_416, %ne3A_417 : i32
          %lt3A_419 = arith.constant 0 : i32
          %lt3A_420 = arith.cmpi slt, %rem3A_416, %lt3A_419 : i32
          %lt3A_421 = arith.constant 0 : i32
          %lt3A_422 = arith.cmpi slt, %select_n3A_415, %lt3A_421 : i32
          %ne3A_423 = arith.xori %lt3A_420, %lt3A_422 : i1
          %and3A_424 = arith.andi %ne3A_423, %ne3A_418 : i1
          %add3A_425 = arith.addi %rem3A_416, %select_n3A_415 : i32
          %select_n3A_426 = arith.select %and3A_424, %add3A_425, %rem3A_416 : i32
          %mul3A_427 = arith.constant 128 : i32
          %mul3A_428 = arith.muli %select_n3A_426, %mul3A_427 : i32
          %mul3A_429 = arith.constant 4 : i32
          %mul3A_430 = arith.muli %add3A, %mul3A_429 : i32
          %add3A_431 = arith.addi %mul3A_428, %mul3A_430 : i32
          %jit3A_432 = arith.constant 200 : i32
          %div3A_433 = arith.divsi %sub3A_410, %jit3A_432 : i32
          %sign3A_434 = arith.constant 0 : i32
          %sign3A_435 = arith.cmpi sgt, %sub3A_410, %sign3A_434 : i32
          %sign3A_436 = arith.extui %sign3A_435 : i1 to i32
          %sign3A_437 = arith.constant 0 : i32
          %sign3A_438 = arith.cmpi slt, %sub3A_410, %sign3A_437 : i32
          %sign3A_439 = arith.extui %sign3A_438 : i1 to i32
          %sign3A_440 = arith.subi %sign3A_436, %sign3A_439 : i32
          %sign3A_441 = arith.constant 0 : i32
          %sign3A_442 = arith.cmpi sgt, %jit3A_432, %sign3A_441 : i32
          %sign3A_443 = arith.extui %sign3A_442 : i1 to i32
          %sign3A_444 = arith.constant 0 : i32
          %sign3A_445 = arith.cmpi slt, %jit3A_432, %sign3A_444 : i32
          %sign3A_446 = arith.extui %sign3A_445 : i1 to i32
          %sign3A_447 = arith.subi %sign3A_443, %sign3A_446 : i32
          %ne3A_448 = arith.cmpi ne, %sign3A_440, %sign3A_447 : i32
          %rem3A_449 = arith.remsi %sub3A_410, %jit3A_432 : i32
          %ne3A_450 = arith.constant 0 : i32
          %ne3A_451 = arith.cmpi ne, %rem3A_449, %ne3A_450 : i32
          %and3A_452 = arith.andi %ne3A_448, %ne3A_451 : i1
          %sub3A_453 = arith.constant 1 : i32
          %sub3A_454 = arith.subi %div3A_433, %sub3A_453 : i32
          %select_n3A_455 = arith.select %and3A_452, %sub3A_454, %div3A_433 : i32
          %add3A_456 = arith.addi %add3A_431, %select_n3A_455 : i32
          %jit3A_457 = arith.constant 4 : i32
          %eq3A_458 = arith.constant 0 : i32
          %eq3A_459 = arith.cmpi eq, %jit3A_457, %eq3A_458 : i32
          %jit3A_460 = arith.constant 1 : i32
          %select_n3A_461 = arith.select %eq3A_459, %jit3A_460, %jit3A_457 : i32
          %rem3A_462 = arith.remsi %sub3A_410, %select_n3A_461 : i32
          %ne3A_463 = arith.constant 0 : i32
          %ne3A_464 = arith.cmpi ne, %rem3A_462, %ne3A_463 : i32
          %lt3A_465 = arith.constant 0 : i32
          %lt3A_466 = arith.cmpi slt, %rem3A_462, %lt3A_465 : i32
          %lt3A_467 = arith.constant 0 : i32
          %lt3A_468 = arith.cmpi slt, %select_n3A_461, %lt3A_467 : i32
          %ne3A_469 = arith.xori %lt3A_466, %lt3A_468 : i1
          %and3A_470 = arith.andi %ne3A_469, %ne3A_464 : i1
          %add3A_471 = arith.addi %rem3A_462, %select_n3A_461 : i32
          %select_n3A_472 = arith.select %and3A_470, %add3A_471, %rem3A_462 : i32
          %dma_wait3A_473 = arith.constant 0 : i32
          %dma_wait3A_474 = arith.constant 0 : i32
          %dma_wait3A_475 = tpu.memref_slice %arg6[%select_n3A_472, %dma_wait3A_473, %dma_wait3A_474] : memref<4x128x32xf32, #tpu.memory_space<vmem>> -> memref<1x128x32xf32, #tpu.memory_space<vmem>>
          %dma_wait3A_476 = tpu.memref_squeeze %dma_wait3A_475 : memref<1x128x32xf32, #tpu.memory_space<vmem>> -> memref<128x32xf32, #tpu.memory_space<vmem>>
          %dma_wait3A_477 = arith.constant 0 : i32
          %dma_wait3A_478 = arith.constant 0 : i32
          %dma_wait3A_479 = tpu.memref_slice %arg4[%add3A_456, %dma_wait3A_477, %dma_wait3A_478] : memref<25600x128x32xf32, #tpu.memory_space<hbm>> -> memref<1x128x32xf32, #tpu.memory_space<hbm>>
          %dma_wait3A_480 = tpu.memref_squeeze %dma_wait3A_479 : memref<1x128x32xf32, #tpu.memory_space<hbm>> -> memref<128x32xf32, #tpu.memory_space<hbm>>
          %dma_wait3A_481 = arith.constant 0 : i32
          %dma_wait3A_482 = arith.constant 0 : i32
          %dma_wait3A_483 = tpu.memref_slice %arg4[%add3A_456, %dma_wait3A_481, %dma_wait3A_482] : memref<25600x128x32xf32, #tpu.memory_space<hbm>> -> memref<1x128x32xf32, #tpu.memory_space<hbm>>
          %dma_wait3A_484 = tpu.memref_squeeze %dma_wait3A_483 : memref<1x128x32xf32, #tpu.memory_space<hbm>> -> memref<128x32xf32, #tpu.memory_space<hbm>>
          %dma_wait3A_485 = arith.constant 0 : i32
          %dma_wait3A_486 = arith.constant 0 : i32
          %dma_wait3A_487 = tpu.memref_slice %arg6[%select_n3A_472, %dma_wait3A_485, %dma_wait3A_486] : memref<4x128x32xf32, #tpu.memory_space<vmem>> -> memref<1x128x32xf32, #tpu.memory_space<vmem>>
          %dma_wait3A_488 = tpu.memref_squeeze %dma_wait3A_487 : memref<1x128x32xf32, #tpu.memory_space<vmem>> -> memref<128x32xf32, #tpu.memory_space<vmem>>
          tpu.wait_dma2 semaphore(%arg8 : memref<!tpu.dma_semaphore, #tpu.memory_space<semaphore_mem>>) src(%dma_wait3A_488 : memref<128x32xf32, #tpu.memory_space<vmem>>) dst(%dma_wait3A_484 : memref<128x32xf32, #tpu.memory_space<hbm>>)
        } else {
        }
        %jit3A_327 = arith.constant 40 : i32
        %div3A_328 = arith.divsi %sub3A_144, %jit3A_327 : i32
        %sign3A_329 = arith.constant 0 : i32
        %sign3A_330 = arith.cmpi sgt, %sub3A_144, %sign3A_329 : i32
        %sign3A_331 = arith.extui %sign3A_330 : i1 to i32
        %sign3A_332 = arith.constant 0 : i32
        %sign3A_333 = arith.cmpi slt, %sub3A_144, %sign3A_332 : i32
        %sign3A_334 = arith.extui %sign3A_333 : i1 to i32
        %sign3A_335 = arith.subi %sign3A_331, %sign3A_334 : i32
        %sign3A_336 = arith.constant 0 : i32
        %sign3A_337 = arith.cmpi sgt, %jit3A_327, %sign3A_336 : i32
        %sign3A_338 = arith.extui %sign3A_337 : i1 to i32
        %sign3A_339 = arith.constant 0 : i32
        %sign3A_340 = arith.cmpi slt, %jit3A_327, %sign3A_339 : i32
        %sign3A_341 = arith.extui %sign3A_340 : i1 to i32
        %sign3A_342 = arith.subi %sign3A_338, %sign3A_341 : i32
        %ne3A_343 = arith.cmpi ne, %sign3A_335, %sign3A_342 : i32
        %rem3A_344 = arith.remsi %sub3A_144, %jit3A_327 : i32
        %ne3A_345 = arith.constant 0 : i32
        %ne3A_346 = arith.cmpi ne, %rem3A_344, %ne3A_345 : i32
        %and3A_347 = arith.andi %ne3A_343, %ne3A_346 : i1
        %sub3A_348 = arith.constant 1 : i32
        %sub3A_349 = arith.subi %div3A_328, %sub3A_348 : i32
        %select_n3A_350 = arith.select %and3A_347, %sub3A_349, %div3A_328 : i32
        %jit3A_351 = arith.constant 2 : i32
        %eq3A_352 = arith.constant 0 : i32
        %eq3A_353 = arith.cmpi eq, %jit3A_351, %eq3A_352 : i32
        %jit3A_354 = arith.constant 1 : i32
        %select_n3A_355 = arith.select %eq3A_353, %jit3A_354, %jit3A_351 : i32
        %rem3A_356 = arith.remsi %select_n3A_350, %select_n3A_355 : i32
        %ne3A_357 = arith.constant 0 : i32
        %ne3A_358 = arith.cmpi ne, %rem3A_356, %ne3A_357 : i32
        %lt3A_359 = arith.constant 0 : i32
        %lt3A_360 = arith.cmpi slt, %rem3A_356, %lt3A_359 : i32
        %lt3A_361 = arith.constant 0 : i32
        %lt3A_362 = arith.cmpi slt, %select_n3A_355, %lt3A_361 : i32
        %ne3A_363 = arith.xori %lt3A_360, %lt3A_362 : i1
        %and3A_364 = arith.andi %ne3A_363, %ne3A_358 : i1
        %add3A_365 = arith.addi %rem3A_356, %select_n3A_355 : i32
        %select_n3A_366 = arith.select %and3A_364, %add3A_365, %rem3A_356 : i32
        %jit3A_367 = arith.constant 40 : i32
        %eq3A_368 = arith.constant 0 : i32
        %eq3A_369 = arith.cmpi eq, %jit3A_367, %eq3A_368 : i32
        %jit3A_370 = arith.constant 1 : i32
        %select_n3A_371 = arith.select %eq3A_369, %jit3A_370, %jit3A_367 : i32
        %rem3A_372 = arith.remsi %sub3A_144, %select_n3A_371 : i32
        %ne3A_373 = arith.constant 0 : i32
        %ne3A_374 = arith.cmpi ne, %rem3A_372, %ne3A_373 : i32
        %lt3A_375 = arith.constant 0 : i32
        %lt3A_376 = arith.cmpi slt, %rem3A_372, %lt3A_375 : i32
        %lt3A_377 = arith.constant 0 : i32
        %lt3A_378 = arith.cmpi slt, %select_n3A_371, %lt3A_377 : i32
        %ne3A_379 = arith.xori %lt3A_376, %lt3A_378 : i1
        %and3A_380 = arith.andi %ne3A_379, %ne3A_374 : i1
        %add3A_381 = arith.addi %rem3A_372, %select_n3A_371 : i32
        %select_n3A_382 = arith.select %and3A_380, %add3A_381, %rem3A_372 : i32
        %jit3A_383 = arith.constant 4 : i32
        %eq3A_384 = arith.constant 0 : i32
        %eq3A_385 = arith.cmpi eq, %jit3A_383, %eq3A_384 : i32
        %jit3A_386 = arith.constant 1 : i32
        %select_n3A_387 = arith.select %eq3A_385, %jit3A_386, %jit3A_383 : i32
        %rem3A_388 = arith.remsi %sub3A_144, %select_n3A_387 : i32
        %ne3A_389 = arith.constant 0 : i32
        %ne3A_390 = arith.cmpi ne, %rem3A_388, %ne3A_389 : i32
        %lt3A_391 = arith.constant 0 : i32
        %lt3A_392 = arith.cmpi slt, %rem3A_388, %lt3A_391 : i32
        %lt3A_393 = arith.constant 0 : i32
        %lt3A_394 = arith.cmpi slt, %select_n3A_387, %lt3A_393 : i32
        %ne3A_395 = arith.xori %lt3A_392, %lt3A_394 : i1
        %and3A_396 = arith.andi %ne3A_395, %ne3A_390 : i1
        %add3A_397 = arith.addi %rem3A_388, %select_n3A_387 : i32
        %select_n3A_398 = arith.select %and3A_396, %add3A_397, %rem3A_388 : i32
        %dma_start3A_399 = arith.constant 0 : i32
        %dma_start3A_400 = arith.constant 0 : i32
        %dma_start3A_401 = tpu.memref_slice %arg6[%select_n3A_398, %dma_start3A_399, %dma_start3A_400] : memref<4x128x32xf32, #tpu.memory_space<vmem>> -> memref<1x128x32xf32, #tpu.memory_space<vmem>>
        %dma_start3A_402 = tpu.memref_squeeze %dma_start3A_401 : memref<1x128x32xf32, #tpu.memory_space<vmem>> -> memref<128x32xf32, #tpu.memory_space<vmem>>
        %dma_start3A_403 = arith.constant 0 : i32
        %dma_start3A_404 = tpu.memref_slice %arg5[%select_n3A_366, %select_n3A_382, %dma_start3A_403] : memref<2x40x128xi32, #tpu.memory_space<vmem>> -> memref<1x1x128xi32, #tpu.memory_space<vmem>>
        %dma_start3A_405 = tpu.memref_squeeze %dma_start3A_404 : memref<1x1x128xi32, #tpu.memory_space<vmem>> -> memref<128xi32, #tpu.memory_space<vmem>>
        %dma_start3A_406 = arith.constant 0 : i32
        %dma_start3A_407 = arith.constant 0 : i32
        %dma_start3A_408 = tpu.memref_slice %arg3[%dma_start3A_406, %dma_start3A_407] : memref<1000000x32xf32, #tpu.memory_space<hbm>> -> memref<1000000x32xf32, #tpu.memory_space<hbm>>
        tpu.enqueue_indirect_dma source(%dma_start3A_408 : memref<1000000x32xf32, #tpu.memory_space<hbm>>) target(%dma_start3A_402 : memref<128x32xf32, #tpu.memory_space<vmem>>) offsets(%dma_start3A_405 : memref<128xi32, #tpu.memory_space<vmem>>) semaphore(%arg7 : memref<!tpu.dma_semaphore, #tpu.memory_space<semaphore_mem>>)
      } else {
      }
      %jit3A_165 = arith.constant 40 : i32
      %div3A = arith.divsi %scan3A_141, %jit3A_165 : i32
      %sign3A = arith.constant 0 : i32
      %sign3A_166 = arith.cmpi sgt, %scan3A_141, %sign3A : i32
      %sign3A_167 = arith.extui %sign3A_166 : i1 to i32
      %sign3A_168 = arith.constant 0 : i32
      %sign3A_169 = arith.cmpi slt, %scan3A_141, %sign3A_168 : i32
      %sign3A_170 = arith.extui %sign3A_169 : i1 to i32
      %sign3A_171 = arith.subi %sign3A_167, %sign3A_170 : i32
      %sign3A_172 = arith.constant 0 : i32
      %sign3A_173 = arith.cmpi sgt, %jit3A_165, %sign3A_172 : i32
      %sign3A_174 = arith.extui %sign3A_173 : i1 to i32
      %sign3A_175 = arith.constant 0 : i32
      %sign3A_176 = arith.cmpi slt, %jit3A_165, %sign3A_175 : i32
      %sign3A_177 = arith.extui %sign3A_176 : i1 to i32
      %sign3A_178 = arith.subi %sign3A_174, %sign3A_177 : i32
      %ne3A_179 = arith.cmpi ne, %sign3A_171, %sign3A_178 : i32
      %rem3A_180 = arith.remsi %scan3A_141, %jit3A_165 : i32
      %ne3A_181 = arith.constant 0 : i32
      %ne3A_182 = arith.cmpi ne, %rem3A_180, %ne3A_181 : i32
      %and3A_183 = arith.andi %ne3A_179, %ne3A_182 : i1
      %sub3A_184 = arith.constant 1 : i32
      %sub3A_185 = arith.subi %div3A, %sub3A_184 : i32
      %select_n3A_186 = arith.select %and3A_183, %sub3A_185, %div3A : i32
      %jit3A_187 = arith.constant 2 : i32
      %eq3A_188 = arith.constant 0 : i32
      %eq3A_189 = arith.cmpi eq, %jit3A_187, %eq3A_188 : i32
      %jit3A_190 = arith.constant 1 : i32
      %select_n3A_191 = arith.select %eq3A_189, %jit3A_190, %jit3A_187 : i32
      %rem3A_192 = arith.remsi %select_n3A_186, %select_n3A_191 : i32
      %ne3A_193 = arith.constant 0 : i32
      %ne3A_194 = arith.cmpi ne, %rem3A_192, %ne3A_193 : i32
      %lt3A_195 = arith.constant 0 : i32
      %lt3A_196 = arith.cmpi slt, %rem3A_192, %lt3A_195 : i32
      %lt3A_197 = arith.constant 0 : i32
      %lt3A_198 = arith.cmpi slt, %select_n3A_191, %lt3A_197 : i32
      %ne3A_199 = arith.xori %lt3A_196, %lt3A_198 : i1
      %and3A_200 = arith.andi %ne3A_199, %ne3A_194 : i1
      %add3A_201 = arith.addi %rem3A_192, %select_n3A_191 : i32
      %select_n3A_202 = arith.select %and3A_200, %add3A_201, %rem3A_192 : i32
      %jit3A_203 = arith.constant 40 : i32
      %eq3A_204 = arith.constant 0 : i32
      %eq3A_205 = arith.cmpi eq, %jit3A_203, %eq3A_204 : i32
      %jit3A_206 = arith.constant 1 : i32
      %select_n3A_207 = arith.select %eq3A_205, %jit3A_206, %jit3A_203 : i32
      %rem3A_208 = arith.remsi %scan3A_141, %select_n3A_207 : i32
      %ne3A_209 = arith.constant 0 : i32
      %ne3A_210 = arith.cmpi ne, %rem3A_208, %ne3A_209 : i32
      %lt3A_211 = arith.constant 0 : i32
      %lt3A_212 = arith.cmpi slt, %rem3A_208, %lt3A_211 : i32
      %lt3A_213 = arith.constant 0 : i32
      %lt3A_214 = arith.cmpi slt, %select_n3A_207, %lt3A_213 : i32
      %ne3A_215 = arith.xori %lt3A_212, %lt3A_214 : i1
      %and3A_216 = arith.andi %ne3A_215, %ne3A_210 : i1
      %add3A_217 = arith.addi %rem3A_208, %select_n3A_207 : i32
      %select_n3A_218 = arith.select %and3A_216, %add3A_217, %rem3A_208 : i32
      %jit3A_219 = arith.constant 4 : i32
      %eq3A_220 = arith.constant 0 : i32
      %eq3A_221 = arith.cmpi eq, %jit3A_219, %eq3A_220 : i32
      %jit3A_222 = arith.constant 1 : i32
      %select_n3A_223 = arith.select %eq3A_221, %jit3A_222, %jit3A_219 : i32
      %rem3A_224 = arith.remsi %scan3A_141, %select_n3A_223 : i32
      %ne3A_225 = arith.constant 0 : i32
      %ne3A_226 = arith.cmpi ne, %rem3A_224, %ne3A_225 : i32
      %lt3A_227 = arith.constant 0 : i32
      %lt3A_228 = arith.cmpi slt, %rem3A_224, %lt3A_227 : i32
      %lt3A_229 = arith.constant 0 : i32
      %lt3A_230 = arith.cmpi slt, %select_n3A_223, %lt3A_229 : i32
      %ne3A_231 = arith.xori %lt3A_228, %lt3A_230 : i1
      %and3A_232 = arith.andi %ne3A_231, %ne3A_226 : i1
      %add3A_233 = arith.addi %rem3A_224, %select_n3A_223 : i32
      %select_n3A_234 = arith.select %and3A_232, %add3A_233, %rem3A_224 : i32
      %dma_wait3A_235 = arith.constant 0 : i32
      %dma_wait3A_236 = arith.constant 0 : i32
      %dma_wait3A_237 = tpu.memref_slice %arg6[%select_n3A_234, %dma_wait3A_235, %dma_wait3A_236] : memref<4x128x32xf32, #tpu.memory_space<vmem>> -> memref<1x128x32xf32, #tpu.memory_space<vmem>>
      %dma_wait3A_238 = tpu.memref_squeeze %dma_wait3A_237 : memref<1x128x32xf32, #tpu.memory_space<vmem>> -> memref<128x32xf32, #tpu.memory_space<vmem>>
      %dma_wait3A_239 = arith.constant 0 : i32
      %dma_wait3A_240 = tpu.memref_slice %arg5[%select_n3A_202, %select_n3A_218, %dma_wait3A_239] : memref<2x40x128xi32, #tpu.memory_space<vmem>> -> memref<1x1x128xi32, #tpu.memory_space<vmem>>
      %dma_wait3A_241 = tpu.memref_squeeze %dma_wait3A_240 : memref<1x1x128xi32, #tpu.memory_space<vmem>> -> memref<128xi32, #tpu.memory_space<vmem>>
      %dma_wait3A_242 = arith.constant 0 : i32
      %dma_wait3A_243 = arith.constant 0 : i32
      %dma_wait3A_244 = tpu.memref_slice %arg3[%dma_wait3A_242, %dma_wait3A_243] : memref<1000000x32xf32, #tpu.memory_space<hbm>> -> memref<1000000x32xf32, #tpu.memory_space<hbm>>
      tpu.wait_indirect_dma semaphore(%arg7 : memref<!tpu.dma_semaphore, #tpu.memory_space<semaphore_mem>>) src(%dma_wait3A_244 : memref<1000000x32xf32, #tpu.memory_space<hbm>>) dst(%dma_wait3A_238 : memref<128x32xf32, #tpu.memory_space<vmem>>)
      %jit3A_245 = arith.constant 200 : i32
      %eq3A_246 = arith.constant 0 : i32
      %eq3A_247 = arith.cmpi eq, %jit3A_245, %eq3A_246 : i32
      %jit3A_248 = arith.constant 1 : i32
      %select_n3A_249 = arith.select %eq3A_247, %jit3A_248, %jit3A_245 : i32
      %rem3A_250 = arith.remsi %scan3A_141, %select_n3A_249 : i32
      %ne3A_251 = arith.constant 0 : i32
      %ne3A_252 = arith.cmpi ne, %rem3A_250, %ne3A_251 : i32
      %lt3A_253 = arith.constant 0 : i32
      %lt3A_254 = arith.cmpi slt, %rem3A_250, %lt3A_253 : i32
      %lt3A_255 = arith.constant 0 : i32
      %lt3A_256 = arith.cmpi slt, %select_n3A_249, %lt3A_255 : i32
      %ne3A_257 = arith.xori %lt3A_254, %lt3A_256 : i1
      %and3A_258 = arith.andi %ne3A_257, %ne3A_252 : i1
      %add3A_259 = arith.addi %rem3A_250, %select_n3A_249 : i32
      %select_n3A_260 = arith.select %and3A_258, %add3A_259, %rem3A_250 : i32
      %mul3A_261 = arith.constant 128 : i32
      %mul3A_262 = arith.muli %select_n3A_260, %mul3A_261 : i32
      %mul3A_263 = arith.constant 4 : i32
      %mul3A_264 = arith.muli %add3A, %mul3A_263 : i32
      %add3A_265 = arith.addi %mul3A_262, %mul3A_264 : i32
      %jit3A_266 = arith.constant 200 : i32
      %div3A_267 = arith.divsi %scan3A_141, %jit3A_266 : i32
      %sign3A_268 = arith.constant 0 : i32
      %sign3A_269 = arith.cmpi sgt, %scan3A_141, %sign3A_268 : i32
      %sign3A_270 = arith.extui %sign3A_269 : i1 to i32
      %sign3A_271 = arith.constant 0 : i32
      %sign3A_272 = arith.cmpi slt, %scan3A_141, %sign3A_271 : i32
      %sign3A_273 = arith.extui %sign3A_272 : i1 to i32
      %sign3A_274 = arith.subi %sign3A_270, %sign3A_273 : i32
      %sign3A_275 = arith.constant 0 : i32
      %sign3A_276 = arith.cmpi sgt, %jit3A_266, %sign3A_275 : i32
      %sign3A_277 = arith.extui %sign3A_276 : i1 to i32
      %sign3A_278 = arith.constant 0 : i32
      %sign3A_279 = arith.cmpi slt, %jit3A_266, %sign3A_278 : i32
      %sign3A_280 = arith.extui %sign3A_279 : i1 to i32
      %sign3A_281 = arith.subi %sign3A_277, %sign3A_280 : i32
      %ne3A_282 = arith.cmpi ne, %sign3A_274, %sign3A_281 : i32
      %rem3A_283 = arith.remsi %scan3A_141, %jit3A_266 : i32
      %ne3A_284 = arith.constant 0 : i32
      %ne3A_285 = arith.cmpi ne, %rem3A_283, %ne3A_284 : i32
      %and3A_286 = arith.andi %ne3A_282, %ne3A_285 : i1
      %sub3A_287 = arith.constant 1 : i32
      %sub3A_288 = arith.subi %div3A_267, %sub3A_287 : i32
      %select_n3A_289 = arith.select %and3A_286, %sub3A_288, %div3A_267 : i32
      %add3A_290 = arith.addi %add3A_265, %select_n3A_289 : i32
      %jit3A_291 = arith.constant 4 : i32
      %eq3A_292 = arith.constant 0 : i32
      %eq3A_293 = arith.cmpi eq, %jit3A_291, %eq3A_292 : i32
      %jit3A_294 = arith.constant 1 : i32
      %select_n3A_295 = arith.select %eq3A_293, %jit3A_294, %jit3A_291 : i32
      %rem3A_296 = arith.remsi %scan3A_141, %select_n3A_295 : i32
      %ne3A_297 = arith.constant 0 : i32
      %ne3A_298 = arith.cmpi ne, %rem3A_296, %ne3A_297 : i32
      %lt3A_299 = arith.constant 0 : i32
      %lt3A_300 = arith.cmpi slt, %rem3A_296, %lt3A_299 : i32
      %lt3A_301 = arith.constant 0 : i32
      %lt3A_302 = arith.cmpi slt, %select_n3A_295, %lt3A_301 : i32
      %ne3A_303 = arith.xori %lt3A_300, %lt3A_302 : i1
      %and3A_304 = arith.andi %ne3A_303, %ne3A_298 : i1
      %add3A_305 = arith.addi %rem3A_296, %select_n3A_295 : i32
      %select_n3A_306 = arith.select %and3A_304, %add3A_305, %rem3A_296 : i32
      %dma_start3A_307 = arith.constant 0 : i32
      %dma_start3A_308 = arith.constant 0 : i32
      %dma_start3A_309 = tpu.memref_slice %arg6[%select_n3A_306, %dma_start3A_307, %dma_start3A_308] : memref<4x128x32xf32, #tpu.memory_space<vmem>> -> memref<1x128x32xf32, #tpu.memory_space<vmem>>
      %dma_start3A_310 = tpu.memref_squeeze %dma_start3A_309 : memref<1x128x32xf32, #tpu.memory_space<vmem>> -> memref<128x32xf32, #tpu.memory_space<vmem>>
      %dma_start3A_311 = arith.constant 0 : i32
      %dma_start3A_312 = arith.constant 0 : i32
      %dma_start3A_313 = tpu.memref_slice %arg4[%add3A_290, %dma_start3A_311, %dma_start3A_312] : memref<25600x128x32xf32, #tpu.memory_space<hbm>> -> memref<1x128x32xf32, #tpu.memory_space<hbm>>
      %dma_start3A_314 = tpu.memref_squeeze %dma_start3A_313 : memref<1x128x32xf32, #tpu.memory_space<hbm>> -> memref<128x32xf32, #tpu.memory_space<hbm>>
      %dma_start3A_315 = arith.constant 0 : i32
      %dma_start3A_316 = arith.constant 0 : i32
      %dma_start3A_317 = tpu.memref_slice %arg4[%add3A_290, %dma_start3A_315, %dma_start3A_316] : memref<25600x128x32xf32, #tpu.memory_space<hbm>> -> memref<1x128x32xf32, #tpu.memory_space<hbm>>
      %dma_start3A_318 = tpu.memref_squeeze %dma_start3A_317 : memref<1x128x32xf32, #tpu.memory_space<hbm>> -> memref<128x32xf32, #tpu.memory_space<hbm>>
      %dma_start3A_319 = arith.constant 0 : i32
      %dma_start3A_320 = arith.constant 0 : i32
      %dma_start3A_321 = tpu.memref_slice %arg6[%select_n3A_306, %dma_start3A_319, %dma_start3A_320] : memref<4x128x32xf32, #tpu.memory_space<vmem>> -> memref<1x128x32xf32, #tpu.memory_space<vmem>>
      %dma_start3A_322 = tpu.memref_squeeze %dma_start3A_321 : memref<1x128x32xf32, #tpu.memory_space<vmem>> -> memref<128x32xf32, #tpu.memory_space<vmem>>
      tpu.enqueue_dma source(%dma_start3A_322 : memref<128x32xf32, #tpu.memory_space<vmem>>) target(%dma_start3A_318 : memref<128x32xf32, #tpu.memory_space<hbm>>) target_semaphore(%arg8 : memref<!tpu.dma_semaphore, #tpu.memory_space<semaphore_mem>>)
    }
    %scan3A_49 = arith.constant 800 : i32
    %mul3A_50 = arith.constant 4 : i32
    %mul3A_51 = arith.muli %add3A, %mul3A_50 : i32
    %add3A_52 = arith.constant 25088 : i32
    %add3A_53 = arith.addi %add3A_52, %mul3A_51 : i32
    %add3A_54 = arith.constant 3 : i32
    %add3A_55 = arith.addi %add3A_53, %add3A_54 : i32
    %dma_wait3A = arith.constant 0 : i32
    %dma_wait3A_56 = arith.constant 0 : i32
    %dma_wait3A_57 = arith.constant 0 : i32
    %dma_wait3A_58 = tpu.memref_slice %arg6[%dma_wait3A, %dma_wait3A_56, %dma_wait3A_57] : memref<4x128x32xf32, #tpu.memory_space<vmem>> -> memref<1x128x32xf32, #tpu.memory_space<vmem>>
    %dma_wait3A_59 = tpu.memref_squeeze %dma_wait3A_58 : memref<1x128x32xf32, #tpu.memory_space<vmem>> -> memref<128x32xf32, #tpu.memory_space<vmem>>
    %dma_wait3A_60 = arith.constant 0 : i32
    %dma_wait3A_61 = arith.constant 0 : i32
    %dma_wait3A_62 = tpu.memref_slice %arg4[%add3A_55, %dma_wait3A_60, %dma_wait3A_61] : memref<25600x128x32xf32, #tpu.memory_space<hbm>> -> memref<1x128x32xf32, #tpu.memory_space<hbm>>
    %dma_wait3A_63 = tpu.memref_squeeze %dma_wait3A_62 : memref<1x128x32xf32, #tpu.memory_space<hbm>> -> memref<128x32xf32, #tpu.memory_space<hbm>>
    %dma_wait3A_64 = arith.constant 0 : i32
    %dma_wait3A_65 = arith.constant 0 : i32
    %dma_wait3A_66 = tpu.memref_slice %arg4[%add3A_55, %dma_wait3A_64, %dma_wait3A_65] : memref<25600x128x32xf32, #tpu.memory_space<hbm>> -> memref<1x128x32xf32, #tpu.memory_space<hbm>>
    %dma_wait3A_67 = tpu.memref_squeeze %dma_wait3A_66 : memref<1x128x32xf32, #tpu.memory_space<hbm>> -> memref<128x32xf32, #tpu.memory_space<hbm>>
    %dma_wait3A_68 = arith.constant 0 : i32
    %dma_wait3A_69 = arith.constant 0 : i32
    %dma_wait3A_70 = tpu.memref_slice %arg6[%dma_wait3A, %dma_wait3A_68, %dma_wait3A_69] : memref<4x128x32xf32, #tpu.memory_space<vmem>> -> memref<1x128x32xf32, #tpu.memory_space<vmem>>
    %dma_wait3A_71 = tpu.memref_squeeze %dma_wait3A_70 : memref<1x128x32xf32, #tpu.memory_space<vmem>> -> memref<128x32xf32, #tpu.memory_space<vmem>>
    tpu.wait_dma2 semaphore(%arg8 : memref<!tpu.dma_semaphore, #tpu.memory_space<semaphore_mem>>) src(%dma_wait3A_71 : memref<128x32xf32, #tpu.memory_space<vmem>>) dst(%dma_wait3A_67 : memref<128x32xf32, #tpu.memory_space<hbm>>)
    %mul3A_72 = arith.constant 4 : i32
    %mul3A_73 = arith.muli %add3A, %mul3A_72 : i32
    %add3A_74 = arith.constant 25216 : i32
    %add3A_75 = arith.addi %add3A_74, %mul3A_73 : i32
    %add3A_76 = arith.constant 3 : i32
    %add3A_77 = arith.addi %add3A_75, %add3A_76 : i32
    %dma_wait3A_78 = arith.constant 1 : i32
    %dma_wait3A_79 = arith.constant 0 : i32
    %dma_wait3A_80 = arith.constant 0 : i32
    %dma_wait3A_81 = tpu.memref_slice %arg6[%dma_wait3A_78, %dma_wait3A_79, %dma_wait3A_80] : memref<4x128x32xf32, #tpu.memory_space<vmem>> -> memref<1x128x32xf32, #tpu.memory_space<vmem>>
    %dma_wait3A_82 = tpu.memref_squeeze %dma_wait3A_81 : memref<1x128x32xf32, #tpu.memory_space<vmem>> -> memref<128x32xf32, #tpu.memory_space<vmem>>
    %dma_wait3A_83 = arith.constant 0 : i32
    %dma_wait3A_84 = arith.constant 0 : i32
    %dma_wait3A_85 = tpu.memref_slice %arg4[%add3A_77, %dma_wait3A_83, %dma_wait3A_84] : memref<25600x128x32xf32, #tpu.memory_space<hbm>> -> memref<1x128x32xf32, #tpu.memory_space<hbm>>
    %dma_wait3A_86 = tpu.memref_squeeze %dma_wait3A_85 : memref<1x128x32xf32, #tpu.memory_space<hbm>> -> memref<128x32xf32, #tpu.memory_space<hbm>>
    %dma_wait3A_87 = arith.constant 0 : i32
    %dma_wait3A_88 = arith.constant 0 : i32
    %dma_wait3A_89 = tpu.memref_slice %arg4[%add3A_77, %dma_wait3A_87, %dma_wait3A_88] : memref<25600x128x32xf32, #tpu.memory_space<hbm>> -> memref<1x128x32xf32, #tpu.memory_space<hbm>>
    %dma_wait3A_90 = tpu.memref_squeeze %dma_wait3A_89 : memref<1x128x32xf32, #tpu.memory_space<hbm>> -> memref<128x32xf32, #tpu.memory_space<hbm>>
    %dma_wait3A_91 = arith.constant 0 : i32
    %dma_wait3A_92 = arith.constant 0 : i32
    %dma_wait3A_93 = tpu.memref_slice %arg6[%dma_wait3A_78, %dma_wait3A_91, %dma_wait3A_92] : memref<4x128x32xf32, #tpu.memory_space<vmem>> -> memref<1x128x32xf32, #tpu.memory_space<vmem>>
    %dma_wait3A_94 = tpu.memref_squeeze %dma_wait3A_93 : memref<1x128x32xf32, #tpu.memory_space<vmem>> -> memref<128x32xf32, #tpu.memory_space<vmem>>
    tpu.wait_dma2 semaphore(%arg8 : memref<!tpu.dma_semaphore, #tpu.memory_space<semaphore_mem>>) src(%dma_wait3A_94 : memref<128x32xf32, #tpu.memory_space<vmem>>) dst(%dma_wait3A_90 : memref<128x32xf32, #tpu.memory_space<hbm>>)
    %mul3A_95 = arith.constant 4 : i32
    %mul3A_96 = arith.muli %add3A, %mul3A_95 : i32
    %add3A_97 = arith.constant 25344 : i32
    %add3A_98 = arith.addi %add3A_97, %mul3A_96 : i32
    %add3A_99 = arith.constant 3 : i32
    %add3A_100 = arith.addi %add3A_98, %add3A_99 : i32
    %dma_wait3A_101 = arith.constant 2 : i32
    %dma_wait3A_102 = arith.constant 0 : i32
    %dma_wait3A_103 = arith.constant 0 : i32
    %dma_wait3A_104 = tpu.memref_slice %arg6[%dma_wait3A_101, %dma_wait3A_102, %dma_wait3A_103] : memref<4x128x32xf32, #tpu.memory_space<vmem>> -> memref<1x128x32xf32, #tpu.memory_space<vmem>>
    %dma_wait3A_105 = tpu.memref_squeeze %dma_wait3A_104 : memref<1x128x32xf32, #tpu.memory_space<vmem>> -> memref<128x32xf32, #tpu.memory_space<vmem>>
    %dma_wait3A_106 = arith.constant 0 : i32
    %dma_wait3A_107 = arith.constant 0 : i32
    %dma_wait3A_108 = tpu.memref_slice %arg4[%add3A_100, %dma_wait3A_106, %dma_wait3A_107] : memref<25600x128x32xf32, #tpu.memory_space<hbm>> -> memref<1x128x32xf32, #tpu.memory_space<hbm>>
    %dma_wait3A_109 = tpu.memref_squeeze %dma_wait3A_108 : memref<1x128x32xf32, #tpu.memory_space<hbm>> -> memref<128x32xf32, #tpu.memory_space<hbm>>
    %dma_wait3A_110 = arith.constant 0 : i32
    %dma_wait3A_111 = arith.constant 0 : i32
    %dma_wait3A_112 = tpu.memref_slice %arg4[%add3A_100, %dma_wait3A_110, %dma_wait3A_111] : memref<25600x128x32xf32, #tpu.memory_space<hbm>> -> memref<1x128x32xf32, #tpu.memory_space<hbm>>
    %dma_wait3A_113 = tpu.memref_squeeze %dma_wait3A_112 : memref<1x128x32xf32, #tpu.memory_space<hbm>> -> memref<128x32xf32, #tpu.memory_space<hbm>>
    %dma_wait3A_114 = arith.constant 0 : i32
    %dma_wait3A_115 = arith.constant 0 : i32
    %dma_wait3A_116 = tpu.memref_slice %arg6[%dma_wait3A_101, %dma_wait3A_114, %dma_wait3A_115] : memref<4x128x32xf32, #tpu.memory_space<vmem>> -> memref<1x128x32xf32, #tpu.memory_space<vmem>>
    %dma_wait3A_117 = tpu.memref_squeeze %dma_wait3A_116 : memref<1x128x32xf32, #tpu.memory_space<vmem>> -> memref<128x32xf32, #tpu.memory_space<vmem>>
    tpu.wait_dma2 semaphore(%arg8 : memref<!tpu.dma_semaphore, #tpu.memory_space<semaphore_mem>>) src(%dma_wait3A_117 : memref<128x32xf32, #tpu.memory_space<vmem>>) dst(%dma_wait3A_113 : memref<128x32xf32, #tpu.memory_space<hbm>>)
    %mul3A_118 = arith.constant 4 : i32
    %mul3A_119 = arith.muli %add3A, %mul3A_118 : i32
    %add3A_120 = arith.constant 25472 : i32
    %add3A_121 = arith.addi %add3A_120, %mul3A_119 : i32
    %add3A_122 = arith.constant 3 : i32
    %add3A_123 = arith.addi %add3A_121, %add3A_122 : i32
    %dma_wait3A_124 = arith.constant 3 : i32
    %dma_wait3A_125 = arith.constant 0 : i32
    %dma_wait3A_126 = arith.constant 0 : i32
    %dma_wait3A_127 = tpu.memref_slice %arg6[%dma_wait3A_124, %dma_wait3A_125, %dma_wait3A_126] : memref<4x128x32xf32, #tpu.memory_space<vmem>> -> memref<1x128x32xf32, #tpu.memory_space<vmem>>
    %dma_wait3A_128 = tpu.memref_squeeze %dma_wait3A_127 : memref<1x128x32xf32, #tpu.memory_space<vmem>> -> memref<128x32xf32, #tpu.memory_space<vmem>>
    %dma_wait3A_129 = arith.constant 0 : i32
    %dma_wait3A_130 = arith.constant 0 : i32
    %dma_wait3A_131 = tpu.memref_slice %arg4[%add3A_123, %dma_wait3A_129, %dma_wait3A_130] : memref<25600x128x32xf32, #tpu.memory_space<hbm>> -> memref<1x128x32xf32, #tpu.memory_space<hbm>>
    %dma_wait3A_132 = tpu.memref_squeeze %dma_wait3A_131 : memref<1x128x32xf32, #tpu.memory_space<hbm>> -> memref<128x32xf32, #tpu.memory_space<hbm>>
    %dma_wait3A_133 = arith.constant 0 : i32
    %dma_wait3A_134 = arith.constant 0 : i32
    %dma_wait3A_135 = tpu.memref_slice %arg4[%add3A_123, %dma_wait3A_133, %dma_wait3A_134] : memref<25600x128x32xf32, #tpu.memory_space<hbm>> -> memref<1x128x32xf32, #tpu.memory_space<hbm>>
    %dma_wait3A_136 = tpu.memref_squeeze %dma_wait3A_135 : memref<1x128x32xf32, #tpu.memory_space<hbm>> -> memref<128x32xf32, #tpu.memory_space<hbm>>
    %dma_wait3A_137 = arith.constant 0 : i32
    %dma_wait3A_138 = arith.constant 0 : i32
    %dma_wait3A_139 = tpu.memref_slice %arg6[%dma_wait3A_124, %dma_wait3A_137, %dma_wait3A_138] : memref<4x128x32xf32, #tpu.memory_space<vmem>> -> memref<1x128x32xf32, #tpu.memory_space<vmem>>
    %dma_wait3A_140 = tpu.memref_squeeze %dma_wait3A_139 : memref<1x128x32xf32, #tpu.memory_space<vmem>> -> memref<128x32xf32, #tpu.memory_space<vmem>>
    tpu.wait_dma2 semaphore(%arg8 : memref<!tpu.dma_semaphore, #tpu.memory_space<semaphore_mem>>) src(%dma_wait3A_140 : memref<128x32xf32, #tpu.memory_space<vmem>>) dst(%dma_wait3A_136 : memref<128x32xf32, #tpu.memory_space<hbm>>)
    return
  }
}

</mosaic_0001>

<sc_bundles>
// kernel: kernel.3.cloned.1.call-start
scs
__scs_entry_jumppad:
0x0: {  	(pc) =	sbr.rel $0x88, $3  }
0x1: {  	(tag) =	ssettag $0x0;
	lr =	simm.s32 $0x1  }
0x2: {  	[smem:$0x3F9F] =	sst lr;
	_ =	strace $0xD0000000  }
0x3: {  	_ = 	snop  }
0x4: {  	_ = 	snop  }
0x5: {  	_ = 	snop  }
0x6: {  	_ = 	snop  }
0x7: {  	_ = 	snop  }
__scs_overlays_trampoline_lowered:
0x8: {  	[smem:$0x3FAE] =	sst s0  }
0x9: {  	[smem:$0x3FAF] =	sst s1  }
0xa: {  	[smem:$0x3FB0] =	sst s2  }
0xb: {  	[smem:$0x3FB1] =	sst s3  }
0xc: {  	[smem:$0x3FB2] =	sst s4  }
0xd: {  	[smem:$0x3FB3] =	sst s5  }
0xe: {  	[smem:$0x3FB4] =	sst s6  }
0xf: {  	[smem:$0x3FB5] =	sst s7  }
0x10: {  	[smem:$0x3FB6] =	sst s8  }
0x11: {  	[smem:$0x3FB7] =	sst s9;
	s0 =	simm.s32 @!p0 $0x0  }
0x12: {  	s1 =	sld [smem:$0x3F9D];
	s0 =	simm.s32 @p0 $0x1  }
0x13: {  	[smem:$0x3FB8] =	sst s0;
	s0 =	simm.s32 @!p1 $0x0  }
0x14: {  	s2 =	sld [smem:$0x3F9C];
	s0 =	simm.s32 @p1 $0x1  }
0x15: {  	[smem:$0x3FB9] =	sst s0;
	s0 =	simm.s32 @!p2 $0x0  }
0x16: {  	s3 =	sld [smem:$0x3FDB];
	s0 =	simm.s32 @p2 $0x1  }
0x17: {  	s4 =	simm.s32 $0x1BF5;
	[smem:$0x3FBB] =	sst s0  }
0x18: {  	s0 =	sld [smem:$0x3F9E];
	_ =	swait.ge [sflag:s4], $0x0  }
0x19: {  	s7 =	sld [smem:$0x3F9F]  }
0x1a: {  	s8 =	sadd.s32 $0xFFFFE003, lr  }
0x1b: {  	s9 =	sadd.s32 $0xFFFFFEF7, lr;
	s5 =	simm.s32 $0xFFFFFFFF;
	p2 =	slt.u32 s8, $0xFFFFF086  }
0x1c: {  	p1 =	slt.u32 s9, $0xF7A;
	s5 =	simm.s32 @!p2 $0x0  }
0x1d: {  	s5 =	simm.s32 @p1 $0x1;
	p0 =	seq.s32 s7, s2  }
0x1e: {  	s7 =	smul.u32 @!p0 $0xF7A, s2;
	p2 =	seq.s32 @!p0 s5, $0x0  }
0x1f: {  	s9 =	smul.u32 $0xF7A, s1;
	s8 =	simm.s32 @!p0 $0x1BF5;
	p2 =	por !p2, p0  }
0x20: {  	[sflag:s8] =	ssyncset.s32 @!p0 $0xFFFFF086;
	s6 =	sadd.s32 @!p0 s3, s7;
	s7 =	simm.s32 @!p0 $0x108  }
0x21: {  	s3 =	sadd.s32 s3, s9;
	s6 =	sadd.s32 @!p0 $0x88, s6;
	s7 =	simm.s32 @p2 $0x1082  }
0x22: {  	[simem:s7], [sflag:s8] =	dma.local @!p0 [hbm:s6], $0xF7A  }
0x23: {  	s9 =	sor.u32 $0xD0000000, s2;
	s6 =	simm.s32 $0x108;
	_ =	swait.ge @!p0 [sflag:s8], $0x0  }
0x24: {  	s3 =	sadd.s32 $0x88, s3;
	s6 =	simm.s32 @!p1 $0x1082;
	[sflag:s4] =	ssyncset.s32 $0xFFFFF086  }
0x25: {  	[simem:s6], [sflag:s4] =	dma.local [hbm:s3], $0xF7A  }
0x26: {  	[smem:$0x3F9F] =	sst s1;
	(tag) =	ssettag s2;
	_ =	strace s9  }
0x27: {  	s1 =	sld [smem:$0x3FAF]  }
0x28: {  	s2 =	sld [smem:$0x3FB0]  }
0x29: {  	s4 =	sld [smem:$0x3FB2]  }
0x2a: {  	p0 =	seq.s32 s5, $0x0;
	s5 =	sld [smem:$0x3FB3]  }
0x2b: {  	s6 =	sld [smem:$0x3FB4]  }
0x2c: {  	s7 =	sld [smem:$0x3FB5]  }
0x2d: {  	s3 =	simm.s32 $0x108;
	s8 =	sld [smem:$0x3FB6]  }
0x2e: {  	s3 =	simm.s32 @!p0 $0x1082;
	s9 =	sld [smem:$0x3FB7]  }
0x2f: {  	lr =	sadd.s32 s0, s3;
	s0 =	sld [smem:$0x3FAE]  }
0x30: {  	s3 =	sld [smem:$0x3FB1]  }
0x31: {  	[smem:$0x3FBA] =	sst s10  }
0x32: {  	s10 =	sld [smem:$0x3FB8];
	_ =	sdelay $0x3  }
0x33: {  	p0 =	seq.s32 s10, $0x1;
	s10 =	sld [smem:$0x3FBA];
	_ =	sdelay $0x3  }
0x34: {  	[smem:$0x3FBA] =	sst s10  }
0x35: {  	s10 =	sld [smem:$0x3FB9];
	_ =	sdelay $0x3  }
0x36: {  	p1 =	seq.s32 s10, $0x1;
	s10 =	sld [smem:$0x3FBA];
	_ =	sdelay $0x3  }
0x37: {  	[smem:$0x3FBA] =	sst s10  }
0x38: {  	s10 =	sld [smem:$0x3FBB]  }
0x39: {  	_ = 	snop;
	(pc) =	sbr.ind lr, $3  }
0x3a: {  	_ = 	snop  }
0x3b: {  	_ = 	snop  }
0x3c: {  	p2 =	seq.s32 s10, $0x1;
	s10 =	sld [smem:$0x3FBA]  }
0x3d: {  	_ =	shalt  }
0x3e: {  	_ =	shalt  }
0x3f: {  	_ =	shalt  }
0x40: {  	_ =	shalt  }
0x41: {  	_ =	shalt  }
0x42: {  	_ =	shalt  }
0x43: {  	_ =	shalt  }
0x44: {  	_ =	shalt  }
0x45: {  	_ =	shalt  }
0x46: {  	_ =	shalt  }
0x47: {  	_ =	shalt  }
0x48: {  	_ =	shalt  }
0x49: {  	_ =	shalt  }
0x4a: {  	_ =	shalt  }
0x4b: {  	_ =	shalt  }
0x4c: {  	_ =	shalt  }
0x4d: {  	_ =	shalt  }
0x4e: {  	_ =	shalt  }
0x4f: {  	_ =	shalt  }
0x50: {  	_ =	shalt  }
0x51: {  	_ =	shalt  }
0x52: {  	_ =	shalt  }
0x53: {  	_ =	shalt  }
0x54: {  	_ =	shalt  }
0x55: {  	_ =	shalt  }
0x56: {  	_ =	shalt  }
0x57: {  	_ =	shalt  }
0x58: {  	_ =	shalt  }
0x59: {  	_ =	shalt  }
0x5a: {  	_ =	shalt  }
0x5b: {  	_ =	shalt  }
0x5c: {  	_ =	shalt  }
0x5d: {  	_ =	shalt  }
0x5e: {  	_ =	shalt  }
0x5f: {  	_ =	shalt  }
0x60: {  	_ =	shalt  }
0x61: {  	_ =	shalt  }
0x62: {  	_ =	shalt  }
0x63: {  	_ =	shalt  }
0x64: {  	_ =	shalt  }
0x65: {  	_ =	shalt  }
0x66: {  	_ =	shalt  }
0x67: {  	_ =	shalt  }
0x68: {  	_ =	shalt  }
0x69: {  	_ =	shalt  }
0x6a: {  	_ =	shalt  }
0x6b: {  	_ =	shalt  }
0x6c: {  	_ =	shalt  }
0x6d: {  	_ =	shalt  }
0x6e: {  	_ =	shalt  }
0x6f: {  	_ =	shalt  }
0x70: {  	_ =	shalt  }
0x71: {  	_ =	shalt  }
0x72: {  	_ =	shalt  }
0x73: {  	_ =	shalt  }
0x74: {  	_ =	shalt  }
0x75: {  	_ =	shalt  }
0x76: {  	_ =	shalt  }
0x77: {  	_ =	shalt  }
0x78: {  	_ =	shalt  }
0x79: {  	_ =	shalt  }
0x7a: {  	_ =	shalt  }
0x7b: {  	_ =	shalt  }
0x7c: {  	_ =	shalt  }
0x7d: {  	_ =	shalt  }
0x7e: {  	_ =	shalt  }
0x7f: {  	_ =	shalt  }
0x80: {  	_ =	shalt  }
0x81: {  	_ =	shalt  }
0x82: {  	_ =	shalt  }
0x83: {  	_ =	shalt  }
0x84: {  	_ =	shalt  }
0x85: {  	_ =	shalt  }
0x86: {  	_ =	shalt  }
0x87: {  	_ =	shalt  }
.Lfunc_end0:
.L_simem_size_0:
called_computation.1_lowered:
.L_overlay_start_0:
0x88: {  	s2 =	sld [smem:$0x3FD9]  }
0x89: {  	s3 =	sld [smem:$0x3FFE];
	_ =	sdelay $0x1  }
0x8a: {  	s1 =	srdreg.scid  }
0x8b: {  	s0 =	sand.u32 $0x1, s1  }
0x8c: {  	s17 =	sshll.u32 s0, $0xA;
	s2 =	sadd.s32 s3, s2  }
0x8d: {  	s2 =	sadd.s32 s2, s17  }
0x8e: {  	[smem:$0x3FC6] =	sst s2  }
0x8f: {  	_ = 	snop  }
0x90: {  	s2 =	sld [smem:$0x3FD0];
	(tm) =	ssettm $0x1  }
0x91: {  	s18 =	sld [smem:$0x3FFB];
	_ =	sdelay $0x3  }
0x92: {  	_ =	strace s18  }
0x93: {  	s3 =	sld [smem:$0x3FFC];
	_ =	sdelay $0x3  }
0x94: {  	_ =	strace s3  }
0x95: {  	s3 =	sld [smem:$0x3FFD];
	_ =	sdelay $0x3  }
0x96: {  	_ =	strace s3  }
0x97: {  	_ =	strace $0x8FFFFFFF  }
0x98: {  	s19 =	sld [smem:$0x3FDB];
	_ =	sdelay $0x1  }
0x99: {  	s4 =	simm.s32 $_scs_section_size  }
0x9a: {  	s5 =	simm.s32 $_size__tile_overlayer_lowered;
	s6 =	simm.s32 $_tile_overlayer_lowered  }
0x9b: {  	s22 =	simm.s32 $0x1BFF;
	s21 =	sshll.u32 s6, $0x1;
	s3 =	sadd.s32 s4, s19  }
0x9c: {  	s7 =	simm.s32 $0x0;
	s20 =	sshll.u32 s5, $0x1;
	s5 =	sadd.s32 s21, s3  }
0x9d: {  	[timem:s7], [sflag:s22] =	dma.local [hbm:s5], s20  }
0x9e: {  	_ =	swait.ge [sflag:s22], s20  }
0x9f: {  	s4 =	ssub.s32 $0x0, s20;
	[sflag:s22] =	ssyncset.done $0x0  }
0xa0: {  	[sflag:s22] =	ssyncadd.s32 s4;
	_ =	sdelay $0x1  }
0xa1: {  	s23 =	simm.s32 $0x1B8B  }
0xa2: {  	_ =	swait.ge [sflag:s23], $0x1  }
0xa3: {  	[sflag:s23] =	ssyncset.done $0x0  }
0xa4: {  	s25 =	simm.s32 $0x1B8E;
	s24 =	sld [smem:$0x3FFE];
	[sflag:s23] =	ssyncadd.s32 $0xFFFFFFFF  }
0xa5: {  	s26 =	simm.s32 $execute0_lowered;
	[smem:$0x3FD2] =	sst s25  }
0xa6: {  	s5 =	sshll.u32 s26, $0x1;
	_ =	strace $0x80000046;
	[dreg:$0x1] =	wrdreg $0xFFFFFFFF  }
0xa7: {  	s28 =	simm.s32 $_size_execute0_lowered;
	s3 =	sadd.s32 s3, s5;
	[dreg:$0x0] =	wrdreg $0x0  }
0xa8: {  	s5 =	sshll.u32 s28, $0x1;
	[dreg:$0x2] =	wrdreg s3  }
0xa9: {  	[dreg:$0x3] =	wrdreg s5  }
0xaa: {  	[dreg:$0x4] =	wrdreg $0xC0  }
0xab: {  	_ =	task [dreg:s7], $0x5FFFF  }
0xac: {  	[dreg:$0x1] =	wrdreg $0xFFFFFFFF  }
0xad: {  	[dreg:$0x0] =	wrdreg $0x60  }
0xae: {  	[dreg:$0x2] =	wrdreg s24  }
0xaf: {  	[dreg:$0x3] =	wrdreg s2  }
0xb0: {  	[dreg:$0x4] =	wrdreg $0x9  }
0xb1: {  	_ =	task.clear_ibuf [dreg:s7], $0x5FFFF;
	_ =	strace $0x90000046  }
0xb2: {  	s29 =	simm.s32 $0x9;
	_ =	strace $0x80000048  }
0xb3: {  	_ =	swait.ge [sflag:s29], $0x1  }
0xb4: {  	[sflag:s29] =	ssyncadd.s32 $0xFFFFFFFF  }
0xb5: {  	_ =	strace $0x90000048  }
0xb6: {  	_ =	sfence  }
0xb7: {  	s30 =	sld [smem:$0x0];
	_ =	sdelay $0x2  }
0xb8: {  	s31 =	sshll.u32 s1, $0xD;
	s1 =	sshrl.u32 s1, $0x2  }
0xb9: {  	s3 =	sand.u32 $0x4000, s31;
	s1 =	sadd.s32 s1, s30  }
0xba: {  	s0 =	sor.u32 s3, s0;
	s1 =	sshll.u32 s1, $0x11  }
0xbb: {  	s0 =	sor.u32 s1, s0  }
0xbc: {  	s0 =	sadd.s32 $0x8F2B, s0  }
0xbd: {  	[sflag:s0] =	ssyncadd.remote.s32 $0x1  }
0xbe: {  	_ =	sfence.sel $0xFFFF  }
0xbf: {  	[dreg:$0x0] =	wrdreg $0xFFFFFFFF;
	(pc) =	sbr.abs _section_cstart, $3  }
0xc0: {  	[dreg:$0x1] =	wrdreg $0xFFFFFFFF  }
0xc1: {  	_ =	task.clear_ibuf [dreg:s7], $0x2FFFF;
	_ =	strace $0x9FFFFFFF  }
0xc2: {  	(tm) =	ssettm $0x7FFFFFFF  }
0xc3: {  	_ =	shalt  }
tec
execute0_lowered:
.L_overlay_start_1:
0x0: {  	(tag) =	ssettag $0x1  }
0x1: {  	s4 =	rddreg [dreg:$0x0];
	s1 =	srdreg.scid  }
0x2: {  	s0 =	stileid.u32;
	s2 =	rddreg [dreg:$0x1]  }
0x3: {  	s3 =	simm.s32 $0x0;
	s9 =	simm.s32 $0x4000;
	s10 =	simm.s32 $0x3  }
0x4: {  	s11 =	simm.s32 $0x2800;
	s12 =	simm.s32 $0x3800;
	s13 =	simm.s32 $0x100  }
0x5: {  	s14 =	simm.s32 $0x4800;
	s15 =	simm.s32 $0x1;
	s16 =	simm.s32 $0x2  }
0x6: {  	s17 =	simm.s32 $0x0;
	s5 =	sand.u32 $0x1, s1;
	s1 =	rddreg [dreg:$0x2]  }
.Ltmp0:
0x7: {  	s6 =	sshll.u32 s0, $0x1;
	[smem:$0x7FF] =	sst s3;
	(pc) =	sbr.rel .LBB2_1-.Ltmp0, $4  }
0x8: {  	s6 =	sor.u32 s5, s6;
	s5 =	ssub.s32 $0x2, s5;
	_ =	strace $0x80000047  }
0x9: {  	s7 =	sshll.u32 s6, $0x6;
	s8 =	sshrl.u32 s5, $0x1;
	s6 =	sshll.u32 s6, $0x2  }
0xa: {  	s7 =	sadd.s32 s7, s4;
	s4 =	sadd.s32 $0xFA6C00, s4;
	s8 =	ssub.s32 s5, s8  }
0xb: {  	s5 =	sadd.s32 $0x800, s7;
	s7 =	smax.u32 s8, $0x1;
	s8 =	simm.s32 $0x80  }
.LBB2_7:
0xc: {  	_ =	swait.ge [sflag:s16], $0x1000  }
0xd: {  	[sflag:s16] =	ssyncset.done $0x0  }
0xe: {  	[sflag:s16] =	ssyncadd.s32 $0xFFFFF000  }
0xf: {  	_ =	swait.ge [sflag:s16], $0x1000  }
0x10: {  	[sflag:s16] =	ssyncset.done $0x0  }
0x11: {  	s17 =	sadd.s32 $0x1, s17;
	[sflag:s16] =	ssyncadd.s32 $0xFFFFF000  }
0x12: {  	p0 =	sne.s32 s17, s7;
	_ =	swait.ge [sflag:s16], $0x1000  }
.Ltmp1:
0x13: {  	[sflag:s16] =	ssyncset.done $0x0;
	(pc) =	sbr.rel @!p0 .LBB2_8-.Ltmp1, $4  }
0x14: {  	[sflag:s16] =	ssyncadd.s32 $0xFFFFF000  }
0x15: {  	_ =	swait.ge [sflag:s16], $0x1000  }
0x16: {  	[sflag:s16] =	ssyncset.done $0x0  }
0x17: {  	[sflag:s16] =	ssyncadd.s32 $0xFFFFF000  }
.LBB2_1:
0x18: {  	[tilespmem:s3], [sflag:$0x3] =	stream.strided.gather [hbm4b:s5+s8], $0x1400, s9, s8, $0x38;
	[tilespmem:$0x6800] =	vst v63  }
0x19: {  	_ =	swait.ge [sflag:s10], $0x1400  }
0x1a: {  	[sflag:s10] =	ssyncset.done $0x0  }
0x1b: {  	[sflag:s10] =	ssyncadd.s32 $0xFFFFEC00  }
0x1c: {  	[tilespmem:s11], [sflag:$0x1] =	stream.indirect.gather [hbm4b:s4+s8], $0x20, s3, s8, $0xb8;
	[tilespmem:$0x6800] =	vst v63  }
.Ltmp2:
0x1d: {  	_ = 	snop;
	(pc) =	sbr.rel .LBB2_2-.Ltmp2, $4  }
0x1e: {  	_ = 	snop  }
0x1f: {  	[tilespmem:s12], [sflag:$0x1] =	stream.indirect.gather [hbm4b:s4+s8], $0x20, s8, s8, $0xb8;
	[tilespmem:$0x6800] =	vst v63  }
0x20: {  	s18 =	simm.s32 $0x3000;
	s19 =	simm.s32 $0x0  }
0x21: {  	[tilespmem:s14], [sflag:$0x1] =	stream.indirect.gather [hbm4b:s4+s8], $0x20, s13, s8, $0xb8;
	[tilespmem:$0x6800] =	vst v63  }
.LBB2_3:
0x22: {  	s23 =	sand.u32 $0xFFF8, s22  }
0x23: {  	s23 =	sshrl.u32 s23, $0x3  }
0x24: {  	s23 =	smul.u32 $0x147B, s23;
	_ =	sdelay $0x1  }
0x25: {  	s23 =	sshrl.u32 s23, $0x11  }
0x26: {  	s24 =	smul.u32 $0xC8, s23;
	_ =	sdelay $0x1  }
0x27: {  	s31 =	sand.u32 $0x1, s21;
	s30 =	ssub.s32 s22, s24  }
0x28: {  	p0 =	seq.s32 s31, $0x1;
	s23 =	sshll.u32 s23, $0x4;
	s22 =	sand.u32 $0xFFFF, s30  }
0x29: {  	s23 =	sadd.s32 s23, s5;
	s24 =	simm.s32 $0x1400;
	s22 =	sshll.u32 s22, $0xB  }
0x2a: {  	s24 =	simm.s32 @!p0 $0x0;
	s22 =	sadd.s32 s22, s23  }
0x2b: {  	[tilespmem:s24], [sflag:$0x3] =	stream.strided.gather [hbm4b:s22+s8], $0x1400, s9, s8, $0x38;
	[tilespmem:$0x6800] =	vst v63  }
0x2c: {  	_ =	swait.ge [sflag:s10], $0x1400  }
0x2d: {  	[sflag:s10] =	ssyncset.done $0x0  }
0x2e: {  	[sflag:s10] =	ssyncadd.s32 $0xFFFFEC00  }
.LBB2_5:
0x2f: {  	p0 =	seq.s32 s19, $0x0;
	s21 =	sand.u32 $0x1, s21  }
0x30: {  	s20 =	sshll.u32 s20, $0x7;
	s23 =	sand.u32 $0x3000, s18;
	s22 =	simm.s32 @!p0 $0x2  }
0x31: {  	p1 =	seq.s32 s21, $0x1;
	s21 =	simm.s32 $0x1400;
	_ =	swait.ge @!p0 [sflag:s22], $0x1000  }
0x32: {  	s20 =	sand.u32 $0x3F80, s20;
	s21 =	simm.s32 @!p1 $0x0;
	[sflag:s22] =	ssyncset.done @!p0 $0x0  }
0x33: {  	s31 =	sadd.s32 $0x2800, s23;
	s20 =	sadd.s32 s20, s21;
	[sflag:s22] =	ssyncadd.s32 @!p0 $0xFFFFF000  }
0x34: {  	[tilespmem:s31], [sflag:$0x1] =	stream.indirect.gather [hbm4b:s4+s8], $0x20, s20, s8, $0xb8;
	[tilespmem:$0x6800] =	vst v63  }
.LBB2_6:
0x35: {  	s20 =	sand.u32 $0xFFF8, s19  }
0x36: {  	s20 =	sshrl.u32 s20, $0x3  }
0x37: {  	s20 =	smul.u32 $0x147B, s20;
	_ =	sdelay $0x1  }
0x38: {  	s20 =	sshrl.u32 s20, $0x11  }
0x39: {  	s21 =	smul.u32 $0xC8, s20;
	_ =	sdelay $0x1  }
0x3a: {  	s21 =	ssub.s32 s19, s21;
	s19 =	sadd.s32 $0x1, s19  }
0x3b: {  	_ =	swait.ge [sflag:s15], $0x1000;
	s21 =	sshll.u32 s21, $0x7;
	p0 =	sne.s32 s19, $0x320  }
.Ltmp3:
0x3c: {  	s20 =	sadd.s32 s20, s6;
	s21 =	sand.u32 $0xFF80, s21;
	(pc) =	sbr.rel @!p0 .LBB2_7-.Ltmp3, $4  }
0x3d: {  	s31 =	sadd.s32 $0xFFFFD000, s18;
	s18 =	sadd.s32 $0x1000, s18;
	s20 =	sadd.s32 s21, s20  }
0x3e: {  	[sflag:s15] =	ssyncset.done $0x0;
	s21 =	sand.u32 $0x3000, s31;
	s20 =	sshll.u32 s20, $0x9  }
0x3f: {  	[sflag:s15] =	ssyncadd.s32 $0xFFFFF000;
	s21 =	sadd.s32 $0x2800, s21;
	s20 =	sadd.s32 s2, s20  }
0x40: {  	[hbm4b:s20+s3] =	stream.linear.scatter [tilespmem:s21], [sflag:$0x2], $0x1000, $0x38;
	[tilespmem:$0x6800] =	vst v63  }
.LBB2_2:
0x41: {  	s22 =	sadd.s32 $0x3, s19  }
0x42: {  	s20 =	smul.u32 $0xCCCD, s22;
	_ =	sdelay $0x1  }
0x43: {  	s21 =	sshrl.u32 s20, $0x15  }
0x44: {  	s20 =	smul.u32 $0x28, s21;
	_ =	sdelay $0x1  }
0x45: {  	p0 =	sgt.u32 s19, $0x31C;
	s20 =	ssub.s32 s22, s20  }
0x46: {  	s23 =	sand.u32 @!p0 $0xFFFF, s20  }
0x47: {  	p1 =	sne.s32 @!p0 s23, $0x0  }
0x48: {  	p1 =	por p0, p1  }
.Ltmp4:
0x49: {  	_ = 	snop;
	(pc) =	sbr.rel @!p1 .LBB2_3-.Ltmp4, $1  }
0x4a: {  	_ =	sdelay $0x3  }
.Ltmp5:
0x4b: {  	(pc) =	sbr.rel @p0 .LBB2_6-.Ltmp5, $4  }
.Ltmp6:
0x4c: {  	(pc) =	sbr.rel @!p0 .LBB2_5-.Ltmp6, $4  }
0x4d: {  	_ = 	snop  }
0x4e: {  	_ = 	snop  }
0x4f: {  	_ = 	snop  }
0x50: {  	_ = 	snop  }
.LBB2_8:
0x51: {  	_ =	sfence.sel $0x180000  }
0x52: {  	[bflag:$0x0] =	sbarrier.arrive $0xFFFF  }
0x53: {  	p0 =	sne.s32 s0, $0x0;
	_ =	strace $0x90000047  }
0x54: {  	s0 =	sadd.s32 @!p0 $0x100000, s1;
	[bflag:$0x2] =	sbarrier.arrive $0xFFFF  }
0x55: {  	[sflag:s0] =	ssyncadd.tile.s32 @!p0 $0x1;
	_ =	shalt  }
.Lfunc_end2:
_tile_overlayer_lowered:
.L_overlay_start_2:
0x56: {  	(tag) =	ssettag $0x2  }
0x57: {  	s0 =	rddreg [dreg:$0x0];
	s2 =	stileid.u32  }
0x58: {  	s1 =	rddreg [dreg:$0x1];
	p0 =	sne.s32 s2, $0x0  }
0x59: {  	s3 =	rddreg [dreg:$0x2];
	[bflag:$0x3] =	sbarrier.arrive $0xFFFF;
	s2 =	simm.s32 @!p0 $0x1C03  }
0x5a: {  	[timem:s3], [sflag:s2] =	dma.local @!p0 [hbm:s0], s1  }
0x5b: {  	s0 =	simm.s32 @!p0 $0x3  }
0x5c: {  	_ =	swait.ge @!p0 [sflag:s0], s1  }
0x5d: {  	s1 =	ssub.s32 @!p0 $0x0, s1;
	[sflag:s0] =	ssyncset.done @!p0 $0x0  }
0x5e: {  	[sflag:s0] =	ssyncadd.s32 @!p0 s1  }
0x5f: {  	[bflag:$0x3] =	sbarrier.arrive $0xFFFF  }
0x60: {  	_ =	shalt  }

// kernel: sparse-core-data-format-call.cloned.1.call-start
scs
called_computation_lowered:
.L_overlay_start_0:
0x0: {  	s2 =	sld [smem:$0x3FD9]  }
0x1: {  	s3 =	sld [smem:$0x3FFE];
	_ =	sdelay $0x1  }
0x2: {  	s1 =	srdreg.scid  }
0x3: {  	s0 =	sand.u32 $0x1, s1  }
0x4: {  	s18 =	sshll.u32 s0, $0xA;
	s2 =	sadd.s32 s3, s2  }
0x5: {  	s2 =	sadd.s32 s2, s18  }
0x6: {  	[smem:$0x3FC6] =	sst s2  }
0x7: {  	_ = 	snop  }
0x8: {  	s2 =	sld [smem:$0x3FD0];
	(tm) =	ssettm $0x1  }
0x9: {  	s19 =	sld [smem:$0x3FFB];
	_ =	sdelay $0x3  }
0xa: {  	_ =	strace s19  }
0xb: {  	s3 =	sld [smem:$0x3FFC];
	_ =	sdelay $0x3  }
0xc: {  	_ =	strace s3  }
0xd: {  	s3 =	sld [smem:$0x3FFD];
	_ =	sdelay $0x3  }
0xe: {  	_ =	strace s3  }
0xf: {  	_ =	strace $0x8FFFFFFF  }
0x10: {  	s20 =	sld [smem:$0x3FDB];
	_ =	sdelay $0x1  }
0x11: {  	s4 =	simm.s32 $_scs_section_size  }
0x12: {  	s5 =	simm.s32 $_size__tile_overlayer_lowered;
	s6 =	simm.s32 $_tile_overlayer_lowered  }
0x13: {  	s23 =	simm.s32 $0x1BFF;
	s22 =	sshll.u32 s6, $0x1;
	s3 =	sadd.s32 s4, s20  }
0x14: {  	s7 =	simm.s32 $0x0;
	s21 =	sshll.u32 s5, $0x1;
	s5 =	sadd.s32 s22, s3  }
0x15: {  	[timem:s7], [sflag:s23] =	dma.local [hbm:s5], s21  }
0x16: {  	_ =	swait.ge [sflag:s23], s21  }
0x17: {  	s4 =	ssub.s32 $0x0, s21;
	[sflag:s23] =	ssyncset.done $0x0  }
0x18: {  	[sflag:s23] =	ssyncadd.s32 s4;
	_ =	sdelay $0x1  }
0x19: {  	s24 =	simm.s32 $0x1B8B  }
0x1a: {  	_ =	swait.ge [sflag:s24], $0x1  }
0x1b: {  	[sflag:s24] =	ssyncset.done $0x0  }
0x1c: {  	s26 =	simm.s32 $0x1B8E;
	s25 =	sld [smem:$0x3FFE];
	[sflag:s24] =	ssyncadd.s32 $0xFFFFFFFF  }
0x1d: {  	s27 =	simm.s32 $execute0_lowered;
	[smem:$0x3FD2] =	sst s26  }
0x1e: {  	s5 =	sshll.u32 s27, $0x1;
	_ =	strace $0x80000049;
	[dreg:$0x1] =	wrdreg $0xFFFFFFFF  }
0x1f: {  	s28 =	simm.s32 $_size_execute0_lowered;
	s3 =	sadd.s32 s3, s5;
	[dreg:$0x0] =	wrdreg $0x0  }
0x20: {  	s5 =	sshll.u32 s28, $0x1;
	[dreg:$0x2] =	wrdreg s3  }
0x21: {  	[dreg:$0x3] =	wrdreg s5  }
0x22: {  	[dreg:$0x4] =	wrdreg $0xC0  }
0x23: {  	_ =	task [dreg:s7], $0x5FFFF  }
0x24: {  	[dreg:$0x1] =	wrdreg $0xFFFFFFFF  }
0x25: {  	[dreg:$0x0] =	wrdreg $0x60  }
0x26: {  	[dreg:$0x2] =	wrdreg s25  }
0x27: {  	[dreg:$0x3] =	wrdreg s2  }
0x28: {  	[dreg:$0x4] =	wrdreg $0x9  }
0x29: {  	_ =	task.clear_ibuf [dreg:s7], $0x5FFFF;
	_ =	strace $0x90000049  }
0x2a: {  	s29 =	simm.s32 $0x9;
	_ =	strace $0x8000004B  }
0x2b: {  	_ =	swait.ge [sflag:s29], $0x1  }
0x2c: {  	[sflag:s29] =	ssyncadd.s32 $0xFFFFFFFF  }
0x2d: {  	_ =	strace $0x9000004B  }
0x2e: {  	_ =	sfence  }
0x2f: {  	s30 =	sld [smem:$0x0];
	_ =	sdelay $0x2  }
0x30: {  	s31 =	sshll.u32 s1, $0xD;
	s1 =	sshrl.u32 s1, $0x2  }
0x31: {  	s3 =	sand.u32 $0x4000, s31;
	s1 =	sadd.s32 s1, s30  }
0x32: {  	s0 =	sor.u32 s3, s0;
	s1 =	sshll.u32 s1, $0x11  }
0x33: {  	s0 =	sor.u32 s1, s0  }
0x34: {  	s0 =	sadd.s32 $0x8F2B, s0  }
0x35: {  	[sflag:s0] =	ssyncadd.remote.s32 $0x1  }
0x36: {  	_ =	sfence.sel $0xFFFF  }
0x37: {  	[dreg:$0x0] =	wrdreg $0xFFFFFFFF;
	(pc) =	sbr.abs _section_cstart, $3  }
0x38: {  	[dreg:$0x1] =	wrdreg $0xFFFFFFFF  }
0x39: {  	_ =	task.clear_ibuf [dreg:s7], $0x2FFFF;
	_ =	strace $0x9FFFFFFF  }
0x3a: {  	(tm) =	ssettm $0x7FFFFFFF  }
0x3b: {  	_ =	shalt  }
tec
execute0_lowered:
.L_overlay_start_1:
0x0: {  	(tag) =	ssettag $0x1  }
0x1: {  	s0 =	srdreg.scid  }
0x2: {  	s1 =	sshll.u32 s0, $0x4  }
0x3: {  	s9 =	rddreg [dreg:$0x0];
	s0 =	stileid.u32;
	s1 =	sand.u32 $0x10, s1  }
0x4: {  	s3 =	rddreg [dreg:$0x1];
	s5 =	simm.s32 $0x1;
	s1 =	sor.u32 s0, s1  }
0x5: {  	s7 =	simm.s32 $0x2;
	s15 =	simm.s32 $0x0;
	s2 =	sshll.u32 s1, $0x7  }
0x6: {  	s11 =	simm.s32 $0x20000;
	s16 =	simm.s32 $0x0;
	s4 =	ssub.s32 $0x4000, s2  }
0x7: {  	s13 =	simm.s32 $0x0;
	s14 =	simm.s32 $0x0;
	s31 =	sand.u32 $0xF80, s4  }
0x8: {  	s8 =	sadd.s32 $0x80800, s9;
	s1 =	rddreg [dreg:$0x2];
	p0 =	sne.s32 s31, $0x0  }
.Ltmp0:
0x9: {  	s6 =	sshrl.u32 s4, $0xC;
	s5 =	simm.s32 @!p0 $0x0;
	(pc) =	sbr.rel .LBB1_1-.Ltmp0, $4  }
0xa: {  	_ =	strace $0x8000004A;
	s4 =	simm.s32 $0x1;
	s5 =	sadd.s32 s5, s6  }
0xb: {  	s12 =	smov.u32 s2;
	[sflag:s4] =	ssyncpa.u1 $0x0;
	s5 =	smul.u32 $0x32, s5  }
0xc: {  	[sflag:s7] =	ssyncpa.u1 $0x0;
	s7 =	sadd.s32 $0x40800, s9;
	p0 =	por $0x0, $0x0  }
0xd: {  	s6 =	sadd.s32 $0x800, s9;
	s9 =	sadd.s32 $0xC0800, s9;
	s10 =	sor.u32 $0x1, s5  }
.LBB1_7:
0xe: {  	s17 =	sadd.s32 $0x1000, s12  }
0xf: {  	s15 =	sadd.s32 $0x4, s13;
	s19 =	smov.u32 s13;
	p2 =	sgt.s32 s17, $0x3FFF  }
0x10: {  	s19 =	smov.u32 @p2 s15  }
0x11: {  	s17 =	smov.u32 @p2 s2;
	p2 =	sgt.s32 s19, $0xC7  }
0x12: {  	s19 =	simm.s32 @p2 $0x0;
	p2 =	sne.s32 s14, s10  }
.Ltmp1:
0x13: {  	p1 =	slt.u32 s14, $0x2;
	(pc) =	sbr.rel @!p2 .LBB1_8-.Ltmp1, $4  }
0x14: {  	s18 =	simm.s32 @!p1 $0x2  }
0x15: {  	s16 =	smov.u32 s13;
	p0 =	por !p0, !p0;
	_ =	swait.ge @!p1 [sflag:s18], $0x4000  }
0x16: {  	s15 =	smov.u32 s12;
	[sflag:s18] =	ssyncset.done @!p1 $0x0;
	s12 =	smov.u32 s17  }
0x17: {  	s14 =	sadd.s32 $0x1, s14;
	[sflag:s18] =	ssyncadd.s32 @!p1 $0xFFFFC000;
	s13 =	smov.u32 s19  }
.LBB1_1:
0x18: {  	p1 =	sge.u32 s14, s5  }
0x19: {  	s17 =	sxor.u32 @!p1 $0xFFFFFFFF, s14  }
0x1a: {  	s18 =	sshll.u32 @!p1 s13, $0x12;
	s19 =	sshll.u32 @!p1 s12, $0x4;
	s21 =	simm.s32 @!p1 $0x20  }
0x1b: {  	s17 =	sshll.u32 @!p1 s17, $0xE;
	s19 =	sand.u32 @!p1 $0x3FFF0, s19;
	s20 =	sadd.s32 @!p1 s6, s18  }
0x1c: {  	s22 =	simm.s32 @!p1 $0x80;
	s17 =	sand.u32 @!p1 $0x4000, s17;
	s20 =	sadd.s32 @!p1 s19, s20  }
0x1d: {  	[tilespmem:s17], [sflag:$0x1] =	stream.strided.gather @!p1 [hbm4b:s20+s21], $0x1000, s22, s21, $0x38;
	[tilespmem:$0x10100] =	vst v63  }
0x1e: {  	s20 =	sadd.s32 @!p1 s18, s7  }
0x1f: {  	s23 =	sor.u32 @!p1 $0x1000, s17;
	s20 =	sadd.s32 @!p1 s19, s20  }
0x20: {  	[tilespmem:s23], [sflag:$0x1] =	stream.strided.gather @!p1 [hbm4b:s20+s21], $0x1000, s22, s21, $0x38;
	[tilespmem:$0x10100] =	vst v63  }
0x21: {  	s20 =	sadd.s32 @!p1 s18, s8  }
0x22: {  	s23 =	sor.u32 @!p1 $0x2000, s17;
	s18 =	sadd.s32 @!p1 s18, s9;
	s20 =	sadd.s32 @!p1 s19, s20  }
0x23: {  	[tilespmem:s23], [sflag:$0x1] =	stream.strided.gather @!p1 [hbm4b:s20+s21], $0x1000, s22, s21, $0x38;
	[tilespmem:$0x10100] =	vst v63  }
0x24: {  	s31 =	sadd.s32 $0xFFFFFFFF, s14;
	s17 =	sor.u32 @!p1 $0x3000, s17;
	s18 =	sadd.s32 @!p1 s19, s18  }
0x25: {  	[tilespmem:s17], [sflag:$0x1] =	stream.strided.gather @!p1 [hbm4b:s18+s21], $0x1000, s22, s21, $0x38;
	[tilespmem:$0x10100] =	vst v63  }
0x26: {  	p1 =	sge.u32 s31, s5  }
.Ltmp2:
0x27: {  	_ = 	snop;
	(pc) =	sbr.rel @p1 .LBB1_7-.Ltmp2, $1  }
0x28: {  	_ =	sdelay $0x3  }
0x29: {  	s17 =	simm.s32 $0x1;
	s19 =	sand.u32 $0x1, s14  }
0x2a: {  	_ =	swait.ge [sflag:s4], $0x4000;
	s17 =	simm.s32 @!p0 $0x0;
	s20 =	smul.u32 $0x10200, s19  }
0x2b: {  	[sflag:s4] =	ssyncset.done $0x0;
	s18 =	smul.u32 $0x10200, s17  }
0x2c: {  	s17 =	sshll.u32 s17, $0xE;
	[sflag:s4] =	ssyncadd.s32 $0xFFFFC000  }
0x2d: {  	s19 =	sor.u32 $0x10, s17;
	s31 =	sshrl.u32 s20, $0x2;
	s18 =	sshrl.u32 s18, $0x2  }
0x2e: {  	s20 =	simm.s32 $0x0;
	s17 =	sor.u32 $0x8000, s31;
	s18 =	sor.u32 $0x8000, s18  }
.LBB1_3:
0x2f: {  	v1 =	vld [tilespmem:s19+$0x0]  }
0x30: {  	v0 =	vld [tilespmem:s19+$0xFFFFFFF0];
	_ =	sdelay $0x2  }
0x31: {  	s23 =	sadd.s32 $0x0, s18  }
0x32: {  	s21 =	simm.s32 $0x4;
	s22 =	sadd.s32 $0x20, s19;
	[tilespmem:s23+$0x810 ss:$0x81] =	vst.msk $0xffff, v1  }
.LBB1_4:
0x33: {  	v1 =	vld [tilespmem:s22+$0x0];
	p1 =	sne.s32 s21, $0x1FC;
	[tilespmem:s23+$0x0 ss:$0x81] =	vst.msk $0xffff, v0;
	s23 =	smov.u32 s21;
	s21 =	sadd.s32 $0x4, s21  }
.Ltmp3:
0x34: {  	v0 =	vld [tilespmem:s22+$0xFFFFFFF0];
	(pc) =	sbr.rel @p1 .LBB1_4-.Ltmp3, $4  }
0x35: {  	_ = 	snop  }
0x36: {  	s23 =	sshra.s32 s23, $0x2  }
0x37: {  	s23 =	sadd.s32 s23, s18  }
0x38: {  	s22 =	sadd.s32 $0x20, s22;
	[tilespmem:s23+$0x810 ss:$0x81] =	vst.msk $0xffff, v1  }
0x39: {  	s20 =	sadd.s32 $0x1, s20  }
0x3a: {  	p1 =	sne.s32 s20, $0x4  }
.Ltmp4:
0x3b: {  	_ = 	snop;
	(pc) =	sbr.rel @p1 .LBB1_3-.Ltmp4, $2  }
0x3c: {  	_ =	sdelay $0x2  }
0x3d: {  	[tilespmem:s23+$0x0 ss:$0x81] =	vst.msk $0xffff, v0;
	s18 =	sadd.s32 $0x1020, s18;
	s19 =	sadd.s32 $0x1000, s19  }
0x3e: {  	s18 =	sshll.u32 s15, $0x3;
	s19 =	sand.u32 $0x78, s15;
	s16 =	sshll.u32 s16, $0x10  }
.Ltmp5:
0x3f: {  	s30 =	sand.u32 $0xF800, s15;
	s18 =	sand.u32 $0x3C00, s18;
	(pc) =	sbr.rel .LBB1_7-.Ltmp5, $4  }
0x40: {  	s31 =	sand.u32 $0x7, s15;
	s16 =	sadd.s32 s3, s16;
	s18 =	sor.u32 s19, s18  }
0x41: {  	s15 =	sshll.u32 s31, $0x12;
	s16 =	sadd.s32 s30, s16;
	s18 =	sshrl.u32 s18, $0x3  }
0x42: {  	s15 =	sor.u32 $0x400, s15;
	s16 =	sadd.s32 s18, s16  }
0x43: {  	[hbm4b:s16+s15] =	stream.strided.scatter [tilespmem:s17], [sflag:$0x2], $0x4000, s11, s15, $0x20;
	[tilespmem:$0x10100] =	vst v63  }
.LBB1_8:
0x44: {  	_ =	sfence.sel $0x180000  }
0x45: {  	s2 =	simm.s32 $0x1;
	[bflag:$0x0] =	sbarrier.arrive $0xFFFF  }
0x46: {  	s31 =	simm.s32 $0x2;
	[sflag:s2] =	ssyncpa.u1 $0x1  }
0x47: {  	[sflag:s31] =	ssyncpa.u1 $0x1  }
0x48: {  	p0 =	sne.s32 s0, $0x0;
	_ =	strace $0x9000004A  }
0x49: {  	s0 =	sadd.s32 @!p0 $0x100000, s1;
	[bflag:$0x2] =	sbarrier.arrive $0xFFFF  }
0x4a: {  	[sflag:s0] =	ssyncadd.tile.s32 @!p0 $0x1;
	_ =	shalt  }
.Lfunc_end1:
_tile_overlayer_lowered:
.L_overlay_start_2:
0x4b: {  	(tag) =	ssettag $0x2  }
0x4c: {  	s0 =	rddreg [dreg:$0x0];
	s2 =	stileid.u32  }
0x4d: {  	s1 =	rddreg [dreg:$0x1];
	p0 =	sne.s32 s2, $0x0  }
0x4e: {  	s3 =	rddreg [dreg:$0x2];
	[bflag:$0x3] =	sbarrier.arrive $0xFFFF;
	s2 =	simm.s32 @!p0 $0x1C01  }
0x4f: {  	[timem:s3], [sflag:s2] =	dma.local @!p0 [hbm:s0], s1  }
0x50: {  	s0 =	simm.s32 @!p0 $0x1  }
0x51: {  	_ =	swait.ge @!p0 [sflag:s0], s1  }
0x52: {  	s1 =	ssub.s32 @!p0 $0x0, s1;
	[sflag:s0] =	ssyncset.done @!p0 $0x0  }
0x53: {  	[sflag:s0] =	ssyncadd.s32 @!p0 s1  }
0x54: {  	[bflag:$0x3] =	sbarrier.arrive $0xFFFF  }
0x55: {  	_ =	shalt  }

</sc_bundles>
